<compile_context>
chip_gen: v7x
topology: tpu7x:2x2x1
jax: 0.10.2.dev20260603
libtpu: 0.0.44.dev20260713+nightly
codegen_flags: <defaults>
</compile_context>

<pallas_src>
import functools

import jax
import jax.numpy as jnp
import numpy as np
from jax import lax
from jax.experimental import pallas as pl
from jax.experimental.pallas import tpu as pltpu
from jax.experimental.pallas import tpu_sc as plsc

N = 10000
D = 128
H = 128
A = 32
E = 320000

NC = 2
NS = 16
L = 16
NW = NC * NS
CPT = H // NW

EPT = E // NW
CHUNK = 2000
NCH_A = EPT // CHUNK
NCH_B = E // CHUNK
GROUPS = CHUNK // L
UNROLL = 5

NB = 2048
GRID = (N + NB - 1) // NB

f32 = jnp.float32

PERM = np.array([[2 * g, 64 + 2 * g, 2 * g + 1, 64 + 2 * g + 1]
                 for g in range(NW)]).reshape(-1)


def _stage1_body(x_ref, we_ref, be_ref, wg_ref, asr_ref, adr_ref,
                 localt_ref, hp_ref, as_ref, ad_ref):
    rowT = (((1,), (1,)), ((), ()))
    colT = (((1,), (0,)), ((), ()))
    localt = jnp.tanh(lax.dot_general(we_ref[...], x_ref[...], rowT,
                                      preferred_element_type=f32) + be_ref[...])
    ht = lax.dot_general(wg_ref[...], localt, colT, preferred_element_type=f32)
    localt_ref[...] = localt
    as_ref[...] = lax.dot_general(asr_ref[...], ht, colT,
                                  preferred_element_type=f32)
    ad_ref[...] = lax.dot_general(adr_ref[...], ht, colT,
                                  preferred_element_type=f32)
    u = lax.bitcast_convert_type(ht.astype(jnp.bfloat16),
                                 jnp.uint16).astype(jnp.uint32)
    pf = lax.bitcast_convert_type(u[:H // 2] | (u[H // 2:] << 16), f32)
    for g in range(NW):
        hp_ref[g] = pf[2 * g:2 * g + 2, :]


def _stage3_body(localt_ref, s3_ref, den_ref, bg3_ref, waffl_ref, waffr3_ref,
                 ba_ref, wact_ref, bact_ref, wval_ref, bval_ref, a_ref, v_ref):
    colT = (((1,), (0,)), ((), ()))
    den = jnp.sum(den_ref[:, 0, :], axis=0)[None, None, :]
    intra3 = jnp.tanh(s3_ref[...] / (den + 1e-16) + bg3_ref[...])
    intra = intra3.reshape(H, intra3.shape[2])
    aff_r = lax.dot_general(waffr3_ref[...], intra, colT,
                            preferred_element_type=f32)
    hidt = jnp.tanh(
        lax.dot_general(waffl_ref[...], localt_ref[...], colT,
                        preferred_element_type=f32)
        + aff_r + ba_ref[...])
    logits = lax.dot_general(hidt, wact_ref[...], (((0,), (1,)), ((), ())),
                             preferred_element_type=f32) + bact_ref[...]
    mx = jnp.max(logits, axis=1, keepdims=True)
    lse = jnp.log(jnp.sum(jnp.exp(logits - mx), axis=1, keepdims=True))
    a_ref[...] = logits - mx - lse
    v_ref[...] = lax.dot_general(hidt, wval_ref[...], (((0,), (1,)), ((), ())),
                                 preferred_element_type=f32) + bval_ref[...]


def _phase_a_body(src_hbm, dst_hbm, as_hbm, ad_hbm,
                  w_out, den_out,
                  src_v, dst_v, w_v, asv, adv, den_v):
    cid = lax.axis_index("c")
    sid = lax.axis_index("s")
    wid = sid * NC + cid
    base = wid * EPT

    pltpu.sync_copy(as_hbm, asv)
    pltpu.sync_copy(ad_hbm, adv)

    def _zden(i, _):
        den_v[pl.ds(i * L, L)] = jnp.zeros((L,), f32)
        return 0
    lax.fori_loop(0, N // L, _zden, 0)

    def _chunk(ci, _):
        pltpu.sync_copy(src_hbm.at[pl.ds(base + ci * CHUNK, CHUNK)], src_v)
        pltpu.sync_copy(dst_hbm.at[pl.ds(base + ci * CHUNK, CHUNK)], dst_v)

        def _group(g, _):
            off = g * L
            src16 = src_v[pl.ds(off, L)]
            dst16 = dst_v[pl.ds(off, L)]
            e = plsc.load_gather(asv, [src16]) + plsc.load_gather(adv, [dst16])
            e = jnp.where(e > 0, e, 0.2 * e)
            w = jnp.exp(e)
            plsc.addupdate_scatter(den_v, [dst16], w)
            w_v[pl.ds(off, L)] = w
            return 0
        lax.fori_loop(0, GROUPS, _group, 0)
        pltpu.sync_copy(w_v, w_out.at[wid, ci])
        return 0
    lax.fori_loop(0, NCH_A, _chunk, 0)

    pltpu.sync_copy(den_v, den_out.at[wid, 0])


def _phase_b_body(w_hbm, src_hbm, dst_hbm, hp_hbm,
                  s_out,
                  wa, sra, dsa, wb, srb, dsb,
                  hp0, hp1, s0, s1, s2, s3,
                  ga0, ga1, ga2, gb0, gb1, gb2):
    cid = lax.axis_index("c")
    sid = lax.axis_index("s")
    wid = sid * NC + cid
    hp = (hp0, hp1)
    sc = (s0, s1, s2, s3)
    himask = jnp.uint32(0xFFFF0000)

    for p in range(CPT // 2):
        pltpu.sync_copy(hp_hbm.at[wid, p], hp[p])

    def _zs(i, _):
        z = jnp.zeros((L,), f32)
        for c in range(CPT):
            sc[c][pl.ds(i * L, L)] = z
        return 0
    lax.fori_loop(0, N // L, _zs, 0)

    def _issue(ci, w_b, s_b, d_b, sems):
        pltpu.async_copy(w_hbm.at[ci // NCH_A, ci % NCH_A], w_b, sems[0])
        pltpu.async_copy(src_hbm.at[pl.ds(ci * CHUNK, CHUNK)], s_b, sems[1])
        pltpu.async_copy(dst_hbm.at[pl.ds(ci * CHUNK, CHUNK)], d_b, sems[2])

    def _wait(ci, w_b, s_b, d_b, sems):
        pltpu.make_async_copy(w_hbm.at[ci // NCH_A, ci % NCH_A],
                              w_b, sems[0]).wait()
        pltpu.make_async_copy(src_hbm.at[pl.ds(ci * CHUNK, CHUNK)],
                              s_b, sems[1]).wait()
        pltpu.make_async_copy(dst_hbm.at[pl.ds(ci * CHUNK, CHUNK)],
                              d_b, sems[2]).wait()

    def _process(w_b, s_b, d_b):
        def _group(g, _):
            for u in range(UNROLL):
                off = (g * UNROLL + u) * L
                w16 = w_b[pl.ds(off, L)]
                src16 = s_b[pl.ds(off, L)]
                dst16 = d_b[pl.ds(off, L)]
                for p in range(CPT // 2):
                    pv = plsc.load_gather(hp[p], [src16])
                    pu = plsc.bitcast(pv, jnp.uint32)
                    lo = plsc.bitcast(pu << 16, f32)
                    hi = plsc.bitcast(pu & himask, f32)
                    plsc.addupdate_scatter(sc[2 * p], [dst16], w16 * lo)
                    plsc.addupdate_scatter(sc[2 * p + 1], [dst16], w16 * hi)
            return 0
        lax.fori_loop(0, GROUPS // UNROLL, _group, 0)

    sems_a = (ga0, ga1, ga2)
    sems_b = (gb0, gb1, gb2)
    _issue(0, wa, sra, dsa, sems_a)

    def _pair(k, _):
        ca = 2 * k
        cb = 2 * k + 1
        _wait(ca, wa, sra, dsa, sems_a)
        _issue(cb, wb, srb, dsb, sems_b)
        _process(wa, sra, dsa)
        _wait(cb, wb, srb, dsb, sems_b)

        @pl.when(k < NCH_B // 2 - 1)
        def _():
            _issue(ca + 2, wa, sra, dsa, sems_a)
        _process(wb, srb, dsb)
        return 0
    lax.fori_loop(0, NCH_B // 2, _pair, 0)

    for c in range(CPT):
        pltpu.sync_copy(sc[c], s_out.at[wid, c])


def _phase_a_call():
    return functools.partial(
        pl.kernel,
        out_type=[jax.ShapeDtypeStruct((NW, NCH_A, CHUNK), f32),
                  jax.ShapeDtypeStruct((NW, 1, N), f32)],
        mesh=plsc.VectorSubcoreMesh(core_axis_name="c", subcore_axis_name="s",
                                    num_cores=NC, num_subcores=NS),
        scratch_types=[
            pltpu.VMEM((CHUNK,), jnp.int32),
            pltpu.VMEM((CHUNK,), jnp.int32),
            pltpu.VMEM((CHUNK,), f32),
            pltpu.VMEM((N,), f32),
            pltpu.VMEM((N,), f32),
            pltpu.VMEM((N,), f32),
        ],
        compiler_params=pltpu.CompilerParams(needs_layout_passes=False),
    )


def _phase_b_call():
    return functools.partial(
        pl.kernel,
        out_type=[jax.ShapeDtypeStruct((NW, CPT, N), f32)],
        mesh=plsc.VectorSubcoreMesh(core_axis_name="c", subcore_axis_name="s",
                                    num_cores=NC, num_subcores=NS),
        scratch_types=[
            pltpu.VMEM((CHUNK,), f32),
            pltpu.VMEM((CHUNK,), jnp.int32),
            pltpu.VMEM((CHUNK,), jnp.int32),
            pltpu.VMEM((CHUNK,), f32),
            pltpu.VMEM((CHUNK,), jnp.int32),
            pltpu.VMEM((CHUNK,), jnp.int32),
            pltpu.VMEM((N,), f32),
            pltpu.VMEM((N,), f32),
            pltpu.VMEM((N,), f32),
            pltpu.VMEM((N,), f32),
            pltpu.VMEM((N,), f32),
            pltpu.VMEM((N,), f32),
            pltpu.SemaphoreType.DMA,
            pltpu.SemaphoreType.DMA,
            pltpu.SemaphoreType.DMA,
            pltpu.SemaphoreType.DMA,
            pltpu.SemaphoreType.DMA,
            pltpu.SemaphoreType.DMA,
        ],
        compiler_params=pltpu.CompilerParams(needs_layout_passes=False),
    )


def kernel(x, edge_index, W_emb, b_emb, W_gat, att_src, att_dst, b_gat,
           W_aff, b_aff, W_act, b_act, W_val, b_val):
    full = lambda bs: pl.BlockSpec(bs, lambda i: (0,) * len(bs))

    localt, hp, a_s, a_d = pl.pallas_call(
        _stage1_body,
        grid=(GRID,),
        in_specs=[
            pl.BlockSpec((NB, D), lambda i: (i, 0)),
            full((H, D)), full((H, 1)), full((H, H)),
            full((1, H)), full((1, H)),
        ],
        out_specs=[
            pl.BlockSpec((H, NB), lambda i: (0, i)),
            pl.BlockSpec((NW, 2, NB), lambda i: (0, 0, i)),
            pl.BlockSpec((1, NB), lambda i: (0, i)),
            pl.BlockSpec((1, NB), lambda i: (0, i)),
        ],
        out_shape=[
            jax.ShapeDtypeStruct((H, N), f32),
            jax.ShapeDtypeStruct((NW, 2, N), f32),
            jax.ShapeDtypeStruct((1, N), f32),
            jax.ShapeDtypeStruct((1, N), f32),
        ],
    )(x, W_emb, b_emb.reshape(H, 1), W_gat,
      att_src.reshape(1, H), att_dst.reshape(1, H))

    w_e, den_part = _phase_a_call()(_phase_a_body)(
        edge_index[0], edge_index[1],
        a_s.reshape(N), a_d.reshape(N))

    (s_part,) = _phase_b_call()(_phase_b_body)(
        w_e, edge_index[0], edge_index[1], hp)

    a, v = pl.pallas_call(
        _stage3_body,
        grid=(GRID,),
        in_specs=[
            pl.BlockSpec((H, NB), lambda i: (0, i)),
            pl.BlockSpec((NW, CPT, NB), lambda i: (0, 0, i)),
            pl.BlockSpec((NW, 1, NB), lambda i: (0, 0, i)),
            full((NW, CPT, 1)), full((H, H)), full((H, H)),
            full((H, 1)), full((A, H)), full((1, A)), full((1, H)),
            full((1, 1)),
        ],
        out_specs=[
            pl.BlockSpec((NB, A), lambda i: (i, 0)),
            pl.BlockSpec((NB, 1), lambda i: (i, 0)),
        ],
        out_shape=[
            jax.ShapeDtypeStruct((N, A), f32),
            jax.ShapeDtypeStruct((N, 1), f32),
        ],
    )(localt, s_part, den_part, b_gat[PERM].reshape(NW, CPT, 1),
      W_aff[:, :H], W_aff[:, H + PERM],
      b_aff.reshape(H, 1), W_act, b_act.reshape(1, A),
      W_val.reshape(1, H), b_val.reshape(1, 1))

    return (a, v)

# --- scband reference (transcript-rebuilt; emitter-appended) ---
"""Pipeline reference for scband-tie-comm-agent-34041910788868 (READ-ONLY COPY).

The authoritative reference and input builder live on the scoring server;
editing this copy changes nothing except your own understanding.
"""

import jax, jax.numpy as jnp
import numpy as np

N = 10000
D = 128
H = 128
A = 32
E = 320000


def setup_inputs(seed: int = 0) -> dict:
    key = jax.random.key(seed)
    ks = jax.random.split(key, 16)
    inp = {}
    inp['x'] = jax.random.normal(ks[0], (N, D), dtype=jnp.float32)
    inp['edge_index'] = jax.random.randint(ks[1], (2, E), 0, N, dtype=jnp.int32)
    # learned parameters (AgentAC: emb_fc, GATConv(intra), affine2, actor_head, value_head)
    inp['W_emb'] = jax.random.normal(ks[2], (H, D), dtype=jnp.float32) / np.sqrt(D)
    inp['b_emb'] = jnp.zeros((H,), dtype=jnp.float32)
    inp['W_gat'] = jax.random.normal(ks[3], (H, H), dtype=jnp.float32) / np.sqrt(H)
    inp['att_src'] = jax.random.normal(ks[4], (H,), dtype=jnp.float32) / np.sqrt(H)
    inp['att_dst'] = jax.random.normal(ks[5], (H,), dtype=jnp.float32) / np.sqrt(H)
    inp['b_gat'] = jnp.zeros((H,), dtype=jnp.float32)
    inp['W_aff'] = jax.random.normal(ks[6], (H, 2 * H), dtype=jnp.float32) / np.sqrt(2 * H)
    inp['b_aff'] = jnp.zeros((H,), dtype=jnp.float32)
    inp['W_act'] = jax.random.normal(ks[7], (A, H), dtype=jnp.float32) / np.sqrt(H)
    inp['b_act'] = jnp.zeros((A,), dtype=jnp.float32)
    inp['W_val'] = jax.random.normal(ks[8], (1, H), dtype=jnp.float32) / np.sqrt(H)
    inp['b_val'] = jnp.zeros((1,), dtype=jnp.float32)
    return inp


def reference(x, edge_index, W_emb, b_emb, W_gat, att_src, att_dst, b_gat,
              W_aff, b_aff, W_act, b_act, W_val, b_val):
    # AgentAC.local_emb
    local = jnp.tanh(x @ W_emb.T + b_emb)
    # AgentAC.intra_com: GATConv(hid, hid, heads=1, concat=False, add_self_loops=False)
    h = local @ W_gat.T
    src = edge_index[0]
    dst = edge_index[1]
    a_s = h @ att_src
    a_d = h @ att_dst
    e = a_s[src] + a_d[dst]
    e = jnp.where(e > 0, e, 0.2 * e)  # LeakyReLU(0.2)
    m = jax.ops.segment_max(e, dst, num_segments=N)
    m = jnp.where(jnp.isfinite(m), m, 0.0)
    ex = jnp.exp(e - m[dst])
    denom = jax.ops.segment_sum(ex, dst, num_segments=N)
    alpha = ex / (denom[dst] + 1e-16)
    msg = jax.ops.segment_sum(alpha[:, None] * h[src], dst, num_segments=N)
    intra = jnp.tanh(msg + b_gat)
    # communicate with block='inter': after_comm = cat(local, intra)
    final_obs = jnp.concatenate([local, intra], axis=-1)
    # AgentAC.forward
    hid = jnp.tanh(final_obs @ W_aff.T + b_aff)
    logits = hid @ W_act.T + b_act
    a = jax.nn.log_softmax(logits, axis=-1)
    v = hid @ W_val.T + b_val
    return (a, v)

if __name__ == "__main__":
    import jax
    _d = setup_inputs()
    print(jax.jit(kernel)(*tuple(_d.values())))

</pallas_src>

<mosaic_0001>
#map = affine_map<(d0, d1) -> (0)>
#map1 = affine_map<(d0, d1) -> (0, 0, 0)>
module attributes {stable_mosaic.version = 14 : i64} {
  func.func @_phase_a_body(%arg0: i32, %arg1: i32, %arg2: memref<320000xi32, #tpu.memory_space<hbm>>, %arg3: memref<320000xi32, #tpu.memory_space<hbm>>, %arg4: memref<10000xf32, #tpu.memory_space<hbm>>, %arg5: memref<10000xf32, #tpu.memory_space<hbm>>, %arg6: memref<32x5x2000xf32, #tpu.memory_space<hbm>>, %arg7: memref<32x1x10000xf32, #tpu.memory_space<hbm>>, %arg8: memref<2000xi32, #tpu.memory_space<vmem>>, %arg9: memref<2000xi32, #tpu.memory_space<vmem>>, %arg10: memref<2000xf32, #tpu.memory_space<vmem>>, %arg11: memref<10000xf32, #tpu.memory_space<vmem>>, %arg12: memref<10000xf32, #tpu.memory_space<vmem>>, %arg13: memref<10000xf32, #tpu.memory_space<vmem>>) attributes {dimension_semantics = [#tpu.dimension_semantics<core_parallel>, #tpu.dimension_semantics<subcore_parallel>], iteration_bounds = array<i64: 2, 16>, scalar_prefetch = 0 : i64, scratch_operands = 6 : i64, tpu.core_type = #tpu.core_type<sc_vector_subcore>, window_params = [{transform_indices = #map}, {transform_indices = #map}, {transform_indices = #map}, {transform_indices = #map}, {transform_indices = #map1}, {transform_indices = #map1}]} {
    %mul3A = arith.constant 2 : i32
    %mul3A_0 = arith.muli %arg1, %mul3A : i32
    %add3A = arith.addi %mul3A_0, %arg0 : i32
    %mul3A_1 = arith.constant 10000 : i32
    %mul3A_2 = arith.muli %add3A, %mul3A_1 : i32
    "tpu.region"() ({
      %run_scoped3A_16 = tpu.sem_alloc : memref<!tpu.dma_semaphore, #tpu.memory_space<semaphore_mem>>
      tpu.enqueue_dma source(%arg4 : memref<10000xf32, #tpu.memory_space<hbm>>) target(%arg11 : memref<10000xf32, #tpu.memory_space<vmem>>) target_semaphore(%run_scoped3A_16 : memref<!tpu.dma_semaphore, #tpu.memory_space<semaphore_mem>>)
      tpu.wait_dma2 semaphore(%run_scoped3A_16 : memref<!tpu.dma_semaphore, #tpu.memory_space<semaphore_mem>>) src(%arg4 : memref<10000xf32, #tpu.memory_space<hbm>>) dst(%arg11 : memref<10000xf32, #tpu.memory_space<vmem>>)
      tpu.yield
    }) : () -> ()
    "tpu.region"() ({
      %run_scoped3A_16 = tpu.sem_alloc : memref<!tpu.dma_semaphore, #tpu.memory_space<semaphore_mem>>
      tpu.enqueue_dma source(%arg5 : memref<10000xf32, #tpu.memory_space<hbm>>) target(%arg12 : memref<10000xf32, #tpu.memory_space<vmem>>) target_semaphore(%run_scoped3A_16 : memref<!tpu.dma_semaphore, #tpu.memory_space<semaphore_mem>>)
      tpu.wait_dma2 semaphore(%run_scoped3A_16 : memref<!tpu.dma_semaphore, #tpu.memory_space<semaphore_mem>>) src(%arg5 : memref<10000xf32, #tpu.memory_space<hbm>>) dst(%arg12 : memref<10000xf32, #tpu.memory_space<vmem>>)
      tpu.yield
    }) : () -> ()
    %scan3A = arith.constant 0 : i32
    %scan3A_3 = arith.constant 0 : i32
    %scan3A_4 = arith.constant 625 : i32
    %scan3A_5 = arith.addi %scan3A_3, %scan3A_4 : i32
    %scan3A_6 = arith.constant 1 : i32
    %scan3A_7 = scf.for %scan3A_16 = %scan3A_3 to %scan3A_5 step %scan3A_6 iter_args(%scan3A_17 = %scan3A) -> (i32)  : i32 {
      %broadcast_in_dim3A = arith.constant 0.000000e+00 : f32
      %broadcast_in_dim3A_18 = vector.broadcast %broadcast_in_dim3A : f32 to vector<16xf32>
      %mul3A_19 = arith.constant 16 : i32
      %mul3A_20 = arith.muli %scan3A_16, %mul3A_19 : i32
      %swap3A = arith.index_cast %mul3A_20 : i32 to index
      %swap3A_21 = tpu.vector_load %arg13[%swap3A] {strides = array<i32>} : memref<10000xf32, #tpu.memory_space<vmem>>, vector<16xf32>,
      tpu.vector_store %arg13[%swap3A], %broadcast_in_dim3A_18 {strides = array<i32>} : memref<10000xf32, #tpu.memory_space<vmem>>, vector<16xf32>,
      %scan3A_22 = arith.constant 0 : i32
      scf.yield %scan3A_22 : i32
    }
    %scan3A_8 = arith.constant 625 : i32
    %scan3A_9 = arith.constant 0 : i32
    %scan3A_10 = arith.constant 0 : i32
    %scan3A_11 = arith.constant 5 : i32
    %scan3A_12 = arith.addi %scan3A_10, %scan3A_11 : i32
    %scan3A_13 = arith.constant 1 : i32
    %scan3A_14 = scf.for %scan3A_16 = %scan3A_10 to %scan3A_12 step %scan3A_13 iter_args(%scan3A_17 = %scan3A_9) -> (i32)  : i32 {
      %mul3A_18 = arith.constant 2000 : i32
      %mul3A_19 = arith.muli %scan3A_16, %mul3A_18 : i32
      %add3A_20 = arith.addi %mul3A_2, %mul3A_19 : i32
      "tpu.region"() ({
        %run_scoped3A_32 = tpu.sem_alloc : memref<!tpu.dma_semaphore, #tpu.memory_space<semaphore_mem>>
        %dma_start3A = tpu.memref_slice %arg2[%add3A_20] : memref<320000xi32, #tpu.memory_space<hbm>> -> memref<2000xi32, #tpu.memory_space<hbm>>
        %dma_start3A_33 = tpu.memref_slice %arg2[%add3A_20] : memref<320000xi32, #tpu.memory_space<hbm>> -> memref<2000xi32, #tpu.memory_space<hbm>>
        tpu.enqueue_dma source(%dma_start3A_33 : memref<2000xi32, #tpu.memory_space<hbm>>) target(%arg8 : memref<2000xi32, #tpu.memory_space<vmem>>) target_semaphore(%run_scoped3A_32 : memref<!tpu.dma_semaphore, #tpu.memory_space<semaphore_mem>>)
        %dma_wait3A = tpu.memref_slice %arg2[%add3A_20] : memref<320000xi32, #tpu.memory_space<hbm>> -> memref<2000xi32, #tpu.memory_space<hbm>>
        %dma_wait3A_34 = tpu.memref_slice %arg2[%add3A_20] : memref<320000xi32, #tpu.memory_space<hbm>> -> memref<2000xi32, #tpu.memory_space<hbm>>
        tpu.wait_dma2 semaphore(%run_scoped3A_32 : memref<!tpu.dma_semaphore, #tpu.memory_space<semaphore_mem>>) src(%dma_wait3A_34 : memref<2000xi32, #tpu.memory_space<hbm>>) dst(%arg8 : memref<2000xi32, #tpu.memory_space<vmem>>)
        tpu.yield
      }) : () -> ()
      %mul3A_21 = arith.constant 2000 : i32
      %mul3A_22 = arith.muli %scan3A_16, %mul3A_21 : i32
      %add3A_23 = arith.addi %mul3A_2, %mul3A_22 : i32
      "tpu.region"() ({
        %run_scoped3A_32 = tpu.sem_alloc : memref<!tpu.dma_semaphore, #tpu.memory_space<semaphore_mem>>
        %dma_start3A = tpu.memref_slice %arg3[%add3A_23] : memref<320000xi32, #tpu.memory_space<hbm>> -> memref<2000xi32, #tpu.memory_space<hbm>>
        %dma_start3A_33 = tpu.memref_slice %arg3[%add3A_23] : memref<320000xi32, #tpu.memory_space<hbm>> -> memref<2000xi32, #tpu.memory_space<hbm>>
        tpu.enqueue_dma source(%dma_start3A_33 : memref<2000xi32, #tpu.memory_space<hbm>>) target(%arg9 : memref<2000xi32, #tpu.memory_space<vmem>>) target_semaphore(%run_scoped3A_32 : memref<!tpu.dma_semaphore, #tpu.memory_space<semaphore_mem>>)
        %dma_wait3A = tpu.memref_slice %arg3[%add3A_23] : memref<320000xi32, #tpu.memory_space<hbm>> -> memref<2000xi32, #tpu.memory_space<hbm>>
        %dma_wait3A_34 = tpu.memref_slice %arg3[%add3A_23] : memref<320000xi32, #tpu.memory_space<hbm>> -> memref<2000xi32, #tpu.memory_space<hbm>>
        tpu.wait_dma2 semaphore(%run_scoped3A_32 : memref<!tpu.dma_semaphore, #tpu.memory_space<semaphore_mem>>) src(%dma_wait3A_34 : memref<2000xi32, #tpu.memory_space<hbm>>) dst(%arg9 : memref<2000xi32, #tpu.memory_space<vmem>>)
        tpu.yield
      }) : () -> ()
      %scan3A_24 = arith.constant 0 : i32
      %scan3A_25 = arith.constant 0 : i32
      %scan3A_26 = arith.constant 125 : i32
      %scan3A_27 = arith.addi %scan3A_25, %scan3A_26 : i32
      %scan3A_28 = arith.constant 1 : i32
      %scan3A_29 = scf.for %scan3A_32 = %scan3A_25 to %scan3A_27 step %scan3A_28 iter_args(%scan3A_33 = %scan3A_24) -> (i32)  : i32 {
        %mul3A_34 = arith.constant 16 : i32
        %mul3A_35 = arith.muli %scan3A_32, %mul3A_34 : i32
        %get3A = arith.index_cast %mul3A_35 : i32 to index
        %get3A_36 = tpu.vector_load %arg8[%get3A] {strides = array<i32>} : memref<2000xi32, #tpu.memory_space<vmem>>, vector<16xi32>,
        %get3A_37 = arith.index_cast %mul3A_35 : i32 to index
        %get3A_38 = tpu.vector_load %arg9[%get3A_37] {strides = array<i32>} : memref<2000xi32, #tpu.memory_space<vmem>>, vector<16xi32>,
        %gather3A = tpu.vector_load_idx %arg11[%get3A_36] : memref<10000xf32, #tpu.memory_space<vmem>>[vector<16xi32>], vector<16xf32>,
        %gather3A_39 = tpu.vector_load_idx %arg12[%get3A_38] : memref<10000xf32, #tpu.memory_space<vmem>>[vector<16xi32>], vector<16xf32>,
        %add3A_40 = arith.addf %gather3A, %gather3A_39 : vector<16xf32>
        %gt3A = arith.constant 0.000000e+00 : f32
        %gt3A_41 = vector.broadcast %gt3A : f32 to vector<16xf32>
        %gt3A_42 = arith.cmpf ogt, %add3A_40, %gt3A_41 : vector<16xf32>
        %mul3A_43 = arith.constant 2.000000e-01 : f32
        %mul3A_44 = vector.broadcast %mul3A_43 : f32 to vector<16xf32>
        %mul3A_45 = arith.mulf %mul3A_44, %add3A_40 : vector<16xf32>
        %select_n3A = arith.select %gt3A_42, %add3A_40, %mul3A_45 : vector<16xi1>, vector<16xf32>
        %exp3A = math.exp %select_n3A : vector<16xf32>
        tpu.vector_store_idx %arg13[%get3A_38], %exp3A {add = true} : memref<10000xf32, #tpu.memory_space<vmem>>[vector<16xi32>], vector<16xf32>,
        %swap3A = arith.index_cast %mul3A_35 : i32 to index
        %swap3A_46 = tpu.vector_load %arg10[%swap3A] {strides = array<i32>} : memref<2000xf32, #tpu.memory_space<vmem>>, vector<16xf32>,
        tpu.vector_store %arg10[%swap3A], %exp3A {strides = array<i32>} : memref<2000xf32, #tpu.memory_space<vmem>>, vector<16xf32>,
        %scan3A_47 = arith.constant 0 : i32
        scf.yield %scan3A_47 : i32
      }
      %scan3A_30 = arith.constant 125 : i32
      "tpu.region"() ({
        %run_scoped3A_32 = tpu.sem_alloc : memref<!tpu.dma_semaphore, #tpu.memory_space<semaphore_mem>>
        %dma_start3A = arith.constant 0 : i32
        %dma_start3A_33 = tpu.memref_slice %arg6[%add3A, %scan3A_16, %dma_start3A] : memref<32x5x2000xf32, #tpu.memory_space<hbm>> -> memref<1x1x2000xf32, #tpu.memory_space<hbm>>
        %dma_start3A_34 = tpu.memref_squeeze %dma_start3A_33 : memref<1x1x2000xf32, #tpu.memory_space<hbm>> -> memref<2000xf32, #tpu.memory_space<hbm>>
        %dma_start3A_35 = arith.constant 0 : i32
        %dma_start3A_36 = tpu.memref_slice %arg6[%add3A, %scan3A_16, %dma_start3A_35] : memref<32x5x2000xf32, #tpu.memory_space<hbm>> -> memref<1x1x2000xf32, #tpu.memory_space<hbm>>
        %dma_start3A_37 = tpu.memref_squeeze %dma_start3A_36 : memref<1x1x2000xf32, #tpu.memory_space<hbm>> -> memref<2000xf32, #tpu.memory_space<hbm>>
        tpu.enqueue_dma source(%arg10 : memref<2000xf32, #tpu.memory_space<vmem>>) target(%dma_start3A_37 : memref<2000xf32, #tpu.memory_space<hbm>>) target_semaphore(%run_scoped3A_32 : memref<!tpu.dma_semaphore, #tpu.memory_space<semaphore_mem>>)
        %dma_wait3A = arith.constant 0 : i32
        %dma_wait3A_38 = tpu.memref_slice %arg6[%add3A, %scan3A_16, %dma_wait3A] : memref<32x5x2000xf32, #tpu.memory_space<hbm>> -> memref<1x1x2000xf32, #tpu.memory_space<hbm>>
        %dma_wait3A_39 = tpu.memref_squeeze %dma_wait3A_38 : memref<1x1x2000xf32, #tpu.memory_space<hbm>> -> memref<2000xf32, #tpu.memory_space<hbm>>
        %dma_wait3A_40 = arith.constant 0 : i32
        %dma_wait3A_41 = tpu.memref_slice %arg6[%add3A, %scan3A_16, %dma_wait3A_40] : memref<32x5x2000xf32, #tpu.memory_space<hbm>> -> memref<1x1x2000xf32, #tpu.memory_space<hbm>>
        %dma_wait3A_42 = tpu.memref_squeeze %dma_wait3A_41 : memref<1x1x2000xf32, #tpu.memory_space<hbm>> -> memref<2000xf32, #tpu.memory_space<hbm>>
        tpu.wait_dma2 semaphore(%run_scoped3A_32 : memref<!tpu.dma_semaphore, #tpu.memory_space<semaphore_mem>>) src(%arg10 : memref<2000xf32, #tpu.memory_space<vmem>>) dst(%dma_wait3A_42 : memref<2000xf32, #tpu.memory_space<hbm>>)
        tpu.yield
      }) : () -> ()
      %scan3A_31 = arith.constant 0 : i32
      scf.yield %scan3A_31 : i32
    }
    %scan3A_15 = arith.constant 5 : i32
    %run_scoped3A = arith.constant 0 : i32
    "tpu.region"() ({
      %run_scoped3A_16 = tpu.sem_alloc : memref<!tpu.dma_semaphore, #tpu.memory_space<semaphore_mem>>
      %dma_start3A = arith.constant 0 : i32
      %dma_start3A_17 = tpu.memref_slice %arg7[%add3A, %run_scoped3A, %dma_start3A] : memref<32x1x10000xf32, #tpu.memory_space<hbm>> -> memref<1x1x10000xf32, #tpu.memory_space<hbm>>
      %dma_start3A_18 = tpu.memref_squeeze %dma_start3A_17 : memref<1x1x10000xf32, #tpu.memory_space<hbm>> -> memref<10000xf32, #tpu.memory_space<hbm>>
      %dma_start3A_19 = arith.constant 0 : i32
      %dma_start3A_20 = tpu.memref_slice %arg7[%add3A, %run_scoped3A, %dma_start3A_19] : memref<32x1x10000xf32, #tpu.memory_space<hbm>> -> memref<1x1x10000xf32, #tpu.memory_space<hbm>>
      %dma_start3A_21 = tpu.memref_squeeze %dma_start3A_20 : memref<1x1x10000xf32, #tpu.memory_space<hbm>> -> memref<10000xf32, #tpu.memory_space<hbm>>
      tpu.enqueue_dma source(%arg13 : memref<10000xf32, #tpu.memory_space<vmem>>) target(%dma_start3A_21 : memref<10000xf32, #tpu.memory_space<hbm>>) target_semaphore(%run_scoped3A_16 : memref<!tpu.dma_semaphore, #tpu.memory_space<semaphore_mem>>)
      %dma_wait3A = arith.constant 0 : i32
      %dma_wait3A_22 = tpu.memref_slice %arg7[%add3A, %run_scoped3A, %dma_wait3A] : memref<32x1x10000xf32, #tpu.memory_space<hbm>> -> memref<1x1x10000xf32, #tpu.memory_space<hbm>>
      %dma_wait3A_23 = tpu.memref_squeeze %dma_wait3A_22 : memref<1x1x10000xf32, #tpu.memory_space<hbm>> -> memref<10000xf32, #tpu.memory_space<hbm>>
      %dma_wait3A_24 = arith.constant 0 : i32
      %dma_wait3A_25 = tpu.memref_slice %arg7[%add3A, %run_scoped3A, %dma_wait3A_24] : memref<32x1x10000xf32, #tpu.memory_space<hbm>> -> memref<1x1x10000xf32, #tpu.memory_space<hbm>>
      %dma_wait3A_26 = tpu.memref_squeeze %dma_wait3A_25 : memref<1x1x10000xf32, #tpu.memory_space<hbm>> -> memref<10000xf32, #tpu.memory_space<hbm>>
      tpu.wait_dma2 semaphore(%run_scoped3A_16 : memref<!tpu.dma_semaphore, #tpu.memory_space<semaphore_mem>>) src(%arg13 : memref<10000xf32, #tpu.memory_space<vmem>>) dst(%dma_wait3A_26 : memref<10000xf32, #tpu.memory_space<hbm>>)
      tpu.yield
    }) : () -> ()
    return
  }
}

#map = affine_map<(d0, d1) -> (0, 0, 0)>
#map1 = affine_map<(d0, d1) -> (0)>
module attributes {stable_mosaic.version = 14 : i64} {
  func.func @_phase_b_body(%arg0: i32, %arg1: i32, %arg2: memref<32x5x2000xf32, #tpu.memory_space<hbm>>, %arg3: memref<320000xi32, #tpu.memory_space<hbm>>, %arg4: memref<320000xi32, #tpu.memory_space<hbm>>, %arg5: memref<32x2x10000xf32, #tpu.memory_space<hbm>>, %arg6: memref<32x4x10000xf32, #tpu.memory_space<hbm>>, %arg7: memref<2000xf32, #tpu.memory_space<vmem>>, %arg8: memref<2000xi32, #tpu.memory_space<vmem>>, %arg9: memref<2000xi32, #tpu.memory_space<vmem>>, %arg10: memref<2000xf32, #tpu.memory_space<vmem>>, %arg11: memref<2000xi32, #tpu.memory_space<vmem>>, %arg12: memref<2000xi32, #tpu.memory_space<vmem>>, %arg13: memref<10000xf32, #tpu.memory_space<vmem>>, %arg14: memref<10000xf32, #tpu.memory_space<vmem>>, %arg15: memref<10000xf32, #tpu.memory_space<vmem>>, %arg16: memref<10000xf32, #tpu.memory_space<vmem>>, %arg17: memref<10000xf32, #tpu.memory_space<vmem>>, %arg18: memref<10000xf32, #tpu.memory_space<vmem>>, %arg19: memref<!tpu.dma_semaphore, #tpu.memory_space<semaphore_mem>>, %arg20: memref<!tpu.dma_semaphore, #tpu.memory_space<semaphore_mem>>, %arg21: memref<!tpu.dma_semaphore, #tpu.memory_space<semaphore_mem>>, %arg22: memref<!tpu.dma_semaphore, #tpu.memory_space<semaphore_mem>>, %arg23: memref<!tpu.dma_semaphore, #tpu.memory_space<semaphore_mem>>, %arg24: memref<!tpu.dma_semaphore, #tpu.memory_space<semaphore_mem>>) attributes {dimension_semantics = [#tpu.dimension_semantics<core_parallel>, #tpu.dimension_semantics<subcore_parallel>], iteration_bounds = array<i64: 2, 16>, scalar_prefetch = 0 : i64, scratch_operands = 18 : i64, tpu.core_type = #tpu.core_type<sc_vector_subcore>, window_params = [{transform_indices = #map}, {transform_indices = #map1}, {transform_indices = #map1}, {transform_indices = #map}, {transform_indices = #map}]} {
    %mul3A = arith.constant 2 : i32
    %mul3A_0 = arith.muli %arg1, %mul3A : i32
    %add3A = arith.addi %mul3A_0, %arg0 : i32
    %run_scoped3A = arith.constant 0 : i32
    "tpu.region"() ({
      %run_scoped3A_35 = tpu.sem_alloc : memref<!tpu.dma_semaphore, #tpu.memory_space<semaphore_mem>>
      %dma_start3A_36 = arith.constant 0 : i32
      %dma_start3A_37 = tpu.memref_slice %arg5[%add3A, %run_scoped3A, %dma_start3A_36] : memref<32x2x10000xf32, #tpu.memory_space<hbm>> -> memref<1x1x10000xf32, #tpu.memory_space<hbm>>
      %dma_start3A_38 = tpu.memref_squeeze %dma_start3A_37 : memref<1x1x10000xf32, #tpu.memory_space<hbm>> -> memref<10000xf32, #tpu.memory_space<hbm>>
      %dma_start3A_39 = arith.constant 0 : i32
      %dma_start3A_40 = tpu.memref_slice %arg5[%add3A, %run_scoped3A, %dma_start3A_39] : memref<32x2x10000xf32, #tpu.memory_space<hbm>> -> memref<1x1x10000xf32, #tpu.memory_space<hbm>>
      %dma_start3A_41 = tpu.memref_squeeze %dma_start3A_40 : memref<1x1x10000xf32, #tpu.memory_space<hbm>> -> memref<10000xf32, #tpu.memory_space<hbm>>
      tpu.enqueue_dma source(%dma_start3A_41 : memref<10000xf32, #tpu.memory_space<hbm>>) target(%arg13 : memref<10000xf32, #tpu.memory_space<vmem>>) target_semaphore(%run_scoped3A_35 : memref<!tpu.dma_semaphore, #tpu.memory_space<semaphore_mem>>)
      %dma_wait3A = arith.constant 0 : i32
      %dma_wait3A_42 = tpu.memref_slice %arg5[%add3A, %run_scoped3A, %dma_wait3A] : memref<32x2x10000xf32, #tpu.memory_space<hbm>> -> memref<1x1x10000xf32, #tpu.memory_space<hbm>>
      %dma_wait3A_43 = tpu.memref_squeeze %dma_wait3A_42 : memref<1x1x10000xf32, #tpu.memory_space<hbm>> -> memref<10000xf32, #tpu.memory_space<hbm>>
      %dma_wait3A_44 = arith.constant 0 : i32
      %dma_wait3A_45 = tpu.memref_slice %arg5[%add3A, %run_scoped3A, %dma_wait3A_44] : memref<32x2x10000xf32, #tpu.memory_space<hbm>> -> memref<1x1x10000xf32, #tpu.memory_space<hbm>>
      %dma_wait3A_46 = tpu.memref_squeeze %dma_wait3A_45 : memref<1x1x10000xf32, #tpu.memory_space<hbm>> -> memref<10000xf32, #tpu.memory_space<hbm>>
      tpu.wait_dma2 semaphore(%run_scoped3A_35 : memref<!tpu.dma_semaphore, #tpu.memory_space<semaphore_mem>>) src(%dma_wait3A_46 : memref<10000xf32, #tpu.memory_space<hbm>>) dst(%arg13 : memref<10000xf32, #tpu.memory_space<vmem>>)
      tpu.yield
    }) : () -> ()
    %run_scoped3A_1 = arith.constant 1 : i32
    "tpu.region"() ({
      %run_scoped3A_35 = tpu.sem_alloc : memref<!tpu.dma_semaphore, #tpu.memory_space<semaphore_mem>>
      %dma_start3A_36 = arith.constant 0 : i32
      %dma_start3A_37 = tpu.memref_slice %arg5[%add3A, %run_scoped3A_1, %dma_start3A_36] : memref<32x2x10000xf32, #tpu.memory_space<hbm>> -> memref<1x1x10000xf32, #tpu.memory_space<hbm>>
      %dma_start3A_38 = tpu.memref_squeeze %dma_start3A_37 : memref<1x1x10000xf32, #tpu.memory_space<hbm>> -> memref<10000xf32, #tpu.memory_space<hbm>>
      %dma_start3A_39 = arith.constant 0 : i32
      %dma_start3A_40 = tpu.memref_slice %arg5[%add3A, %run_scoped3A_1, %dma_start3A_39] : memref<32x2x10000xf32, #tpu.memory_space<hbm>> -> memref<1x1x10000xf32, #tpu.memory_space<hbm>>
      %dma_start3A_41 = tpu.memref_squeeze %dma_start3A_40 : memref<1x1x10000xf32, #tpu.memory_space<hbm>> -> memref<10000xf32, #tpu.memory_space<hbm>>
      tpu.enqueue_dma source(%dma_start3A_41 : memref<10000xf32, #tpu.memory_space<hbm>>) target(%arg14 : memref<10000xf32, #tpu.memory_space<vmem>>) target_semaphore(%run_scoped3A_35 : memref<!tpu.dma_semaphore, #tpu.memory_space<semaphore_mem>>)
      %dma_wait3A = arith.constant 0 : i32
      %dma_wait3A_42 = tpu.memref_slice %arg5[%add3A, %run_scoped3A_1, %dma_wait3A] : memref<32x2x10000xf32, #tpu.memory_space<hbm>> -> memref<1x1x10000xf32, #tpu.memory_space<hbm>>
      %dma_wait3A_43 = tpu.memref_squeeze %dma_wait3A_42 : memref<1x1x10000xf32, #tpu.memory_space<hbm>> -> memref<10000xf32, #tpu.memory_space<hbm>>
      %dma_wait3A_44 = arith.constant 0 : i32
      %dma_wait3A_45 = tpu.memref_slice %arg5[%add3A, %run_scoped3A_1, %dma_wait3A_44] : memref<32x2x10000xf32, #tpu.memory_space<hbm>> -> memref<1x1x10000xf32, #tpu.memory_space<hbm>>
      %dma_wait3A_46 = tpu.memref_squeeze %dma_wait3A_45 : memref<1x1x10000xf32, #tpu.memory_space<hbm>> -> memref<10000xf32, #tpu.memory_space<hbm>>
      tpu.wait_dma2 semaphore(%run_scoped3A_35 : memref<!tpu.dma_semaphore, #tpu.memory_space<semaphore_mem>>) src(%dma_wait3A_46 : memref<10000xf32, #tpu.memory_space<hbm>>) dst(%arg14 : memref<10000xf32, #tpu.memory_space<vmem>>)
      tpu.yield
    }) : () -> ()
    %scan3A = arith.constant 0 : i32
    %scan3A_2 = arith.constant 0 : i32
    %scan3A_3 = arith.constant 625 : i32
    %scan3A_4 = arith.addi %scan3A_2, %scan3A_3 : i32
    %scan3A_5 = arith.constant 1 : i32
    %scan3A_6 = scf.for %scan3A_35 = %scan3A_2 to %scan3A_4 step %scan3A_5 iter_args(%scan3A_36 = %scan3A) -> (i32)  : i32 {
      %broadcast_in_dim3A = arith.constant 0.000000e+00 : f32
      %broadcast_in_dim3A_37 = vector.broadcast %broadcast_in_dim3A : f32 to vector<16xf32>
      %mul3A_38 = arith.constant 16 : i32
      %mul3A_39 = arith.muli %scan3A_35, %mul3A_38 : i32
      %swap3A = arith.index_cast %mul3A_39 : i32 to index
      %swap3A_40 = tpu.vector_load %arg15[%swap3A] {strides = array<i32>} : memref<10000xf32, #tpu.memory_space<vmem>>, vector<16xf32>,
      tpu.vector_store %arg15[%swap3A], %broadcast_in_dim3A_37 {strides = array<i32>} : memref<10000xf32, #tpu.memory_space<vmem>>, vector<16xf32>,
      %mul3A_41 = arith.constant 16 : i32
      %mul3A_42 = arith.muli %scan3A_35, %mul3A_41 : i32
      %swap3A_43 = arith.index_cast %mul3A_42 : i32 to index
      %swap3A_44 = tpu.vector_load %arg16[%swap3A_43] {strides = array<i32>} : memref<10000xf32, #tpu.memory_space<vmem>>, vector<16xf32>,
      tpu.vector_store %arg16[%swap3A_43], %broadcast_in_dim3A_37 {strides = array<i32>} : memref<10000xf32, #tpu.memory_space<vmem>>, vector<16xf32>,
      %mul3A_45 = arith.constant 16 : i32
      %mul3A_46 = arith.muli %scan3A_35, %mul3A_45 : i32
      %swap3A_47 = arith.index_cast %mul3A_46 : i32 to index
      %swap3A_48 = tpu.vector_load %arg17[%swap3A_47] {strides = array<i32>} : memref<10000xf32, #tpu.memory_space<vmem>>, vector<16xf32>,
      tpu.vector_store %arg17[%swap3A_47], %broadcast_in_dim3A_37 {strides = array<i32>} : memref<10000xf32, #tpu.memory_space<vmem>>, vector<16xf32>,
      %mul3A_49 = arith.constant 16 : i32
      %mul3A_50 = arith.muli %scan3A_35, %mul3A_49 : i32
      %swap3A_51 = arith.index_cast %mul3A_50 : i32 to index
      %swap3A_52 = tpu.vector_load %arg18[%swap3A_51] {strides = array<i32>} : memref<10000xf32, #tpu.memory_space<vmem>>, vector<16xf32>,
      tpu.vector_store %arg18[%swap3A_51], %broadcast_in_dim3A_37 {strides = array<i32>} : memref<10000xf32, #tpu.memory_space<vmem>>, vector<16xf32>,
      %scan3A_53 = arith.constant 0 : i32
      scf.yield %scan3A_53 : i32
    }
    %scan3A_7 = arith.constant 625 : i32
    %dma_start3A = arith.constant 0 : i32
    %dma_start3A_8 = arith.constant 0 : i32
    %dma_start3A_9 = arith.constant 0 : i32
    %dma_start3A_10 = tpu.memref_slice %arg2[%dma_start3A, %dma_start3A_8, %dma_start3A_9] : memref<32x5x2000xf32, #tpu.memory_space<hbm>> -> memref<1x1x2000xf32, #tpu.memory_space<hbm>>
    %dma_start3A_11 = tpu.memref_squeeze %dma_start3A_10 : memref<1x1x2000xf32, #tpu.memory_space<hbm>> -> memref<2000xf32, #tpu.memory_space<hbm>>
    %dma_start3A_12 = arith.constant 0 : i32
    %dma_start3A_13 = tpu.memref_slice %arg2[%dma_start3A, %dma_start3A_8, %dma_start3A_12] : memref<32x5x2000xf32, #tpu.memory_space<hbm>> -> memref<1x1x2000xf32, #tpu.memory_space<hbm>>
    %dma_start3A_14 = tpu.memref_squeeze %dma_start3A_13 : memref<1x1x2000xf32, #tpu.memory_space<hbm>> -> memref<2000xf32, #tpu.memory_space<hbm>>
    tpu.enqueue_dma source(%dma_start3A_14 : memref<2000xf32, #tpu.memory_space<hbm>>) target(%arg7 : memref<2000xf32, #tpu.memory_space<vmem>>) target_semaphore(%arg19 : memref<!tpu.dma_semaphore, #tpu.memory_space<semaphore_mem>>)
    %dma_start3A_15 = arith.constant 0 : i32
    %dma_start3A_16 = tpu.memref_slice %arg3[%dma_start3A_15] : memref<320000xi32, #tpu.memory_space<hbm>> -> memref<2000xi32, #tpu.memory_space<hbm>>
    %dma_start3A_17 = arith.constant 0 : i32
    %dma_start3A_18 = tpu.memref_slice %arg3[%dma_start3A_17] : memref<320000xi32, #tpu.memory_space<hbm>> -> memref<2000xi32, #tpu.memory_space<hbm>>
    tpu.enqueue_dma source(%dma_start3A_18 : memref<2000xi32, #tpu.memory_space<hbm>>) target(%arg8 : memref<2000xi32, #tpu.memory_space<vmem>>) target_semaphore(%arg20 : memref<!tpu.dma_semaphore, #tpu.memory_space<semaphore_mem>>)
    %dma_start3A_19 = arith.constant 0 : i32
    %dma_start3A_20 = tpu.memref_slice %arg4[%dma_start3A_19] : memref<320000xi32, #tpu.memory_space<hbm>> -> memref<2000xi32, #tpu.memory_space<hbm>>
    %dma_start3A_21 = arith.constant 0 : i32
    %dma_start3A_22 = tpu.memref_slice %arg4[%dma_start3A_21] : memref<320000xi32, #tpu.memory_space<hbm>> -> memref<2000xi32, #tpu.memory_space<hbm>>
    tpu.enqueue_dma source(%dma_start3A_22 : memref<2000xi32, #tpu.memory_space<hbm>>) target(%arg9 : memref<2000xi32, #tpu.memory_space<vmem>>) target_semaphore(%arg21 : memref<!tpu.dma_semaphore, #tpu.memory_space<semaphore_mem>>)
    %scan3A_23 = arith.constant -65536 : i32
    %scan3A_24 = arith.constant 0 : i32
    %scan3A_25 = arith.constant 0 : i32
    %scan3A_26 = arith.constant 80 : i32
    %scan3A_27 = arith.addi %scan3A_25, %scan3A_26 : i32
    %scan3A_28 = arith.constant 1 : i32
    %scan3A_29 = scf.for %scan3A_35 = %scan3A_25 to %scan3A_27 step %scan3A_28 iter_args(%scan3A_36 = %scan3A_24) -> (i32)  : i32 {
      %mul3A_37 = arith.constant 2 : i32
      %mul3A_38 = arith.muli %mul3A_37, %scan3A_35 : i32
      %mul3A_39 = arith.constant 2 : i32
      %mul3A_40 = arith.muli %mul3A_39, %scan3A_35 : i32
      %add3A_41 = arith.constant 1 : i32
      %add3A_42 = arith.addi %mul3A_40, %add3A_41 : i32
      %jit3A = arith.constant 5 : i32
      %div3A = arith.divsi %mul3A_38, %jit3A : i32
      %sign3A = arith.constant 0 : i32
      %sign3A_43 = arith.cmpi sgt, %mul3A_38, %sign3A : i32
      %sign3A_44 = arith.extui %sign3A_43 : i1 to i32
      %sign3A_45 = arith.constant 0 : i32
      %sign3A_46 = arith.cmpi slt, %mul3A_38, %sign3A_45 : i32
      %sign3A_47 = arith.extui %sign3A_46 : i1 to i32
      %sign3A_48 = arith.subi %sign3A_44, %sign3A_47 : i32
      %sign3A_49 = arith.constant 0 : i32
      %sign3A_50 = arith.cmpi sgt, %jit3A, %sign3A_49 : i32
      %sign3A_51 = arith.extui %sign3A_50 : i1 to i32
      %sign3A_52 = arith.constant 0 : i32
      %sign3A_53 = arith.cmpi slt, %jit3A, %sign3A_52 : i32
      %sign3A_54 = arith.extui %sign3A_53 : i1 to i32
      %sign3A_55 = arith.subi %sign3A_51, %sign3A_54 : i32
      %ne3A = arith.cmpi ne, %sign3A_48, %sign3A_55 : i32
      %rem3A = arith.remsi %mul3A_38, %jit3A : i32
      %ne3A_56 = arith.constant 0 : i32
      %ne3A_57 = arith.cmpi ne, %rem3A, %ne3A_56 : i32
      %and3A = arith.andi %ne3A, %ne3A_57 : i1
      %sub3A = arith.constant 1 : i32
      %sub3A_58 = arith.subi %div3A, %sub3A : i32
      %select_n3A = arith.select %and3A, %sub3A_58, %div3A : i32
      %jit3A_59 = arith.constant 5 : i32
      %eq3A = arith.constant 0 : i32
      %eq3A_60 = arith.cmpi eq, %jit3A_59, %eq3A : i32
      %jit3A_61 = arith.constant 1 : i32
      %select_n3A_62 = arith.select %eq3A_60, %jit3A_61, %jit3A_59 : i32
      %rem3A_63 = arith.remsi %mul3A_38, %select_n3A_62 : i32
      %ne3A_64 = arith.constant 0 : i32
      %ne3A_65 = arith.cmpi ne, %rem3A_63, %ne3A_64 : i32
      %lt3A = arith.constant 0 : i32
      %lt3A_66 = arith.cmpi slt, %rem3A_63, %lt3A : i32
      %lt3A_67 = arith.constant 0 : i32
      %lt3A_68 = arith.cmpi slt, %select_n3A_62, %lt3A_67 : i32
      %ne3A_69 = arith.xori %lt3A_66, %lt3A_68 : i1
      %and3A_70 = arith.andi %ne3A_69, %ne3A_65 : i1
      %add3A_71 = arith.addi %rem3A_63, %select_n3A_62 : i32
      %select_n3A_72 = arith.select %and3A_70, %add3A_71, %rem3A_63 : i32
      %dma_wait3A = arith.constant 0 : i32
      %dma_wait3A_73 = tpu.memref_slice %arg2[%select_n3A, %select_n3A_72, %dma_wait3A] : memref<32x5x2000xf32, #tpu.memory_space<hbm>> -> memref<1x1x2000xf32, #tpu.memory_space<hbm>>
      %dma_wait3A_74 = tpu.memref_squeeze %dma_wait3A_73 : memref<1x1x2000xf32, #tpu.memory_space<hbm>> -> memref<2000xf32, #tpu.memory_space<hbm>>
      %dma_wait3A_75 = arith.constant 0 : i32
      %dma_wait3A_76 = tpu.memref_slice %arg2[%select_n3A, %select_n3A_72, %dma_wait3A_75] : memref<32x5x2000xf32, #tpu.memory_space<hbm>> -> memref<1x1x2000xf32, #tpu.memory_space<hbm>>
      %dma_wait3A_77 = tpu.memref_squeeze %dma_wait3A_76 : memref<1x1x2000xf32, #tpu.memory_space<hbm>> -> memref<2000xf32, #tpu.memory_space<hbm>>
      tpu.wait_dma2 semaphore(%arg19 : memref<!tpu.dma_semaphore, #tpu.memory_space<semaphore_mem>>) src(%dma_wait3A_77 : memref<2000xf32, #tpu.memory_space<hbm>>) dst(%arg7 : memref<2000xf32, #tpu.memory_space<vmem>>)
      %mul3A_78 = arith.constant 2000 : i32
      %mul3A_79 = arith.muli %mul3A_38, %mul3A_78 : i32
      %dma_wait3A_80 = tpu.memref_slice %arg3[%mul3A_79] : memref<320000xi32, #tpu.memory_space<hbm>> -> memref<2000xi32, #tpu.memory_space<hbm>>
      %dma_wait3A_81 = tpu.memref_slice %arg3[%mul3A_79] : memref<320000xi32, #tpu.memory_space<hbm>> -> memref<2000xi32, #tpu.memory_space<hbm>>
      tpu.wait_dma2 semaphore(%arg20 : memref<!tpu.dma_semaphore, #tpu.memory_space<semaphore_mem>>) src(%dma_wait3A_81 : memref<2000xi32, #tpu.memory_space<hbm>>) dst(%arg8 : memref<2000xi32, #tpu.memory_space<vmem>>)
      %mul3A_82 = arith.constant 2000 : i32
      %mul3A_83 = arith.muli %mul3A_38, %mul3A_82 : i32
      %dma_wait3A_84 = tpu.memref_slice %arg4[%mul3A_83] : memref<320000xi32, #tpu.memory_space<hbm>> -> memref<2000xi32, #tpu.memory_space<hbm>>
      %dma_wait3A_85 = tpu.memref_slice %arg4[%mul3A_83] : memref<320000xi32, #tpu.memory_space<hbm>> -> memref<2000xi32, #tpu.memory_space<hbm>>
      tpu.wait_dma2 semaphore(%arg21 : memref<!tpu.dma_semaphore, #tpu.memory_space<semaphore_mem>>) src(%dma_wait3A_85 : memref<2000xi32, #tpu.memory_space<hbm>>) dst(%arg9 : memref<2000xi32, #tpu.memory_space<vmem>>)
      %jit3A_86 = arith.constant 5 : i32
      %div3A_87 = arith.divsi %add3A_42, %jit3A_86 : i32
      %sign3A_88 = arith.constant 0 : i32
      %sign3A_89 = arith.cmpi sgt, %add3A_42, %sign3A_88 : i32
      %sign3A_90 = arith.extui %sign3A_89 : i1 to i32
      %sign3A_91 = arith.constant 0 : i32
      %sign3A_92 = arith.cmpi slt, %add3A_42, %sign3A_91 : i32
      %sign3A_93 = arith.extui %sign3A_92 : i1 to i32
      %sign3A_94 = arith.subi %sign3A_90, %sign3A_93 : i32
      %sign3A_95 = arith.constant 0 : i32
      %sign3A_96 = arith.cmpi sgt, %jit3A_86, %sign3A_95 : i32
      %sign3A_97 = arith.extui %sign3A_96 : i1 to i32
      %sign3A_98 = arith.constant 0 : i32
      %sign3A_99 = arith.cmpi slt, %jit3A_86, %sign3A_98 : i32
      %sign3A_100 = arith.extui %sign3A_99 : i1 to i32
      %sign3A_101 = arith.subi %sign3A_97, %sign3A_100 : i32
      %ne3A_102 = arith.cmpi ne, %sign3A_94, %sign3A_101 : i32
      %rem3A_103 = arith.remsi %add3A_42, %jit3A_86 : i32
      %ne3A_104 = arith.constant 0 : i32
      %ne3A_105 = arith.cmpi ne, %rem3A_103, %ne3A_104 : i32
      %and3A_106 = arith.andi %ne3A_102, %ne3A_105 : i1
      %sub3A_107 = arith.constant 1 : i32
      %sub3A_108 = arith.subi %div3A_87, %sub3A_107 : i32
      %select_n3A_109 = arith.select %and3A_106, %sub3A_108, %div3A_87 : i32
      %jit3A_110 = arith.constant 5 : i32
      %eq3A_111 = arith.constant 0 : i32
      %eq3A_112 = arith.cmpi eq, %jit3A_110, %eq3A_111 : i32
      %jit3A_113 = arith.constant 1 : i32
      %select_n3A_114 = arith.select %eq3A_112, %jit3A_113, %jit3A_110 : i32
      %rem3A_115 = arith.remsi %add3A_42, %select_n3A_114 : i32
      %ne3A_116 = arith.constant 0 : i32
      %ne3A_117 = arith.cmpi ne, %rem3A_115, %ne3A_116 : i32
      %lt3A_118 = arith.constant 0 : i32
      %lt3A_119 = arith.cmpi slt, %rem3A_115, %lt3A_118 : i32
      %lt3A_120 = arith.constant 0 : i32
      %lt3A_121 = arith.cmpi slt, %select_n3A_114, %lt3A_120 : i32
      %ne3A_122 = arith.xori %lt3A_119, %lt3A_121 : i1
      %and3A_123 = arith.andi %ne3A_122, %ne3A_117 : i1
      %add3A_124 = arith.addi %rem3A_115, %select_n3A_114 : i32
      %select_n3A_125 = arith.select %and3A_123, %add3A_124, %rem3A_115 : i32
      %dma_start3A_126 = arith.constant 0 : i32
      %dma_start3A_127 = tpu.memref_slice %arg2[%select_n3A_109, %select_n3A_125, %dma_start3A_126] : memref<32x5x2000xf32, #tpu.memory_space<hbm>> -> memref<1x1x2000xf32, #tpu.memory_space<hbm>>
      %dma_start3A_128 = tpu.memref_squeeze %dma_start3A_127 : memref<1x1x2000xf32, #tpu.memory_space<hbm>> -> memref<2000xf32, #tpu.memory_space<hbm>>
      %dma_start3A_129 = arith.constant 0 : i32
      %dma_start3A_130 = tpu.memref_slice %arg2[%select_n3A_109, %select_n3A_125, %dma_start3A_129] : memref<32x5x2000xf32, #tpu.memory_space<hbm>> -> memref<1x1x2000xf32, #tpu.memory_space<hbm>>
      %dma_start3A_131 = tpu.memref_squeeze %dma_start3A_130 : memref<1x1x2000xf32, #tpu.memory_space<hbm>> -> memref<2000xf32, #tpu.memory_space<hbm>>
      tpu.enqueue_dma source(%dma_start3A_131 : memref<2000xf32, #tpu.memory_space<hbm>>) target(%arg10 : memref<2000xf32, #tpu.memory_space<vmem>>) target_semaphore(%arg22 : memref<!tpu.dma_semaphore, #tpu.memory_space<semaphore_mem>>)
      %mul3A_132 = arith.constant 2000 : i32
      %mul3A_133 = arith.muli %add3A_42, %mul3A_132 : i32
      %dma_start3A_134 = tpu.memref_slice %arg3[%mul3A_133] : memref<320000xi32, #tpu.memory_space<hbm>> -> memref<2000xi32, #tpu.memory_space<hbm>>
      %dma_start3A_135 = tpu.memref_slice %arg3[%mul3A_133] : memref<320000xi32, #tpu.memory_space<hbm>> -> memref<2000xi32, #tpu.memory_space<hbm>>
      tpu.enqueue_dma source(%dma_start3A_135 : memref<2000xi32, #tpu.memory_space<hbm>>) target(%arg11 : memref<2000xi32, #tpu.memory_space<vmem>>) target_semaphore(%arg23 : memref<!tpu.dma_semaphore, #tpu.memory_space<semaphore_mem>>)
      %mul3A_136 = arith.constant 2000 : i32
      %mul3A_137 = arith.muli %add3A_42, %mul3A_136 : i32
      %dma_start3A_138 = tpu.memref_slice %arg4[%mul3A_137] : memref<320000xi32, #tpu.memory_space<hbm>> -> memref<2000xi32, #tpu.memory_space<hbm>>
      %dma_start3A_139 = tpu.memref_slice %arg4[%mul3A_137] : memref<320000xi32, #tpu.memory_space<hbm>> -> memref<2000xi32, #tpu.memory_space<hbm>>
      tpu.enqueue_dma source(%dma_start3A_139 : memref<2000xi32, #tpu.memory_space<hbm>>) target(%arg12 : memref<2000xi32, #tpu.memory_space<vmem>>) target_semaphore(%arg24 : memref<!tpu.dma_semaphore, #tpu.memory_space<semaphore_mem>>)
      %scan3A_140 = arith.constant 0 : i32
      %scan3A_141 = arith.constant 0 : i32
      %scan3A_142 = arith.constant 25 : i32
      %scan3A_143 = arith.addi %scan3A_141, %scan3A_142 : i32
      %scan3A_144 = arith.constant 1 : i32
      %scan3A_145 = scf.for %scan3A_212 = %scan3A_141 to %scan3A_143 step %scan3A_144 iter_args(%scan3A_213 = %scan3A_140) -> (i32)  : i32 {
        %mul3A_214 = arith.constant 5 : i32
        %mul3A_215 = arith.muli %scan3A_212, %mul3A_214 : i32
        %add3A_216 = arith.constant 0 : i32
        %add3A_217 = arith.addi %mul3A_215, %add3A_216 : i32
        %mul3A_218 = arith.constant 16 : i32
        %mul3A_219 = arith.muli %add3A_217, %mul3A_218 : i32
        %get3A = arith.index_cast %mul3A_219 : i32 to index
        %get3A_220 = tpu.vector_load %arg7[%get3A] {strides = array<i32>} : memref<2000xf32, #tpu.memory_space<vmem>>, vector<16xf32>,
        %get3A_221 = arith.index_cast %mul3A_219 : i32 to index
        %get3A_222 = tpu.vector_load %arg8[%get3A_221] {strides = array<i32>} : memref<2000xi32, #tpu.memory_space<vmem>>, vector<16xi32>,
        %get3A_223 = arith.index_cast %mul3A_219 : i32 to index
        %get3A_224 = tpu.vector_load %arg9[%get3A_223] {strides = array<i32>} : memref<2000xi32, #tpu.memory_space<vmem>>, vector<16xi32>,
        %gather3A = tpu.vector_load_idx %arg13[%get3A_222] : memref<10000xf32, #tpu.memory_space<vmem>>[vector<16xi32>], vector<16xf32>,
        %bitcast3A = vector.bitcast %gather3A : vector<16xf32> to vector<16xi32>
        %shift_left3A = arith.constant 16 : i32
        %shift_left3A_225 = vector.broadcast %shift_left3A : i32 to vector<16xi32>
        %shift_left3A_226 = arith.shli %bitcast3A, %shift_left3A_225 : vector<16xi32>
        %bitcast3A_227 = vector.bitcast %shift_left3A_226 : vector<16xi32> to vector<16xf32>
        %and3A_228 = vector.broadcast %scan3A_23 : i32 to vector<16xi32>
        %and3A_229 = arith.andi %bitcast3A, %and3A_228 : vector<16xi32>
        %bitcast3A_230 = vector.bitcast %and3A_229 : vector<16xi32> to vector<16xf32>
        %mul3A_231 = arith.mulf %get3A_220, %bitcast3A_227 : vector<16xf32>
        tpu.vector_store_idx %arg15[%get3A_224], %mul3A_231 {add = true} : memref<10000xf32, #tpu.memory_space<vmem>>[vector<16xi32>], vector<16xf32>,
        %mul3A_232 = arith.mulf %get3A_220, %bitcast3A_230 : vector<16xf32>
        tpu.vector_store_idx %arg16[%get3A_224], %mul3A_232 {add = true} : memref<10000xf32, #tpu.memory_space<vmem>>[vector<16xi32>], vector<16xf32>,
        %gather3A_233 = tpu.vector_load_idx %arg14[%get3A_222] : memref<10000xf32, #tpu.memory_space<vmem>>[vector<16xi32>], vector<16xf32>,
        %bitcast3A_234 = vector.bitcast %gather3A_233 : vector<16xf32> to vector<16xi32>
        %shift_left3A_235 = arith.constant 16 : i32
        %shift_left3A_236 = vector.broadcast %shift_left3A_235 : i32 to vector<16xi32>
        %shift_left3A_237 = arith.shli %bitcast3A_234, %shift_left3A_236 : vector<16xi32>
        %bitcast3A_238 = vector.bitcast %shift_left3A_237 : vector<16xi32> to vector<16xf32>
        %and3A_239 = vector.broadcast %scan3A_23 : i32 to vector<16xi32>
        %and3A_240 = arith.andi %bitcast3A_234, %and3A_239 : vector<16xi32>
        %bitcast3A_241 = vector.bitcast %and3A_240 : vector<16xi32> to vector<16xf32>
        %mul3A_242 = arith.mulf %get3A_220, %bitcast3A_238 : vector<16xf32>
        tpu.vector_store_idx %arg17[%get3A_224], %mul3A_242 {add = true} : memref<10000xf32, #tpu.memory_space<vmem>>[vector<16xi32>], vector<16xf32>,
        %mul3A_243 = arith.mulf %get3A_220, %bitcast3A_241 : vector<16xf32>
        tpu.vector_store_idx %arg18[%get3A_224], %mul3A_243 {add = true} : memref<10000xf32, #tpu.memory_space<vmem>>[vector<16xi32>], vector<16xf32>,
        %mul3A_244 = arith.constant 5 : i32
        %mul3A_245 = arith.muli %scan3A_212, %mul3A_244 : i32
        %add3A_246 = arith.constant 1 : i32
        %add3A_247 = arith.addi %mul3A_245, %add3A_246 : i32
        %mul3A_248 = arith.constant 16 : i32
        %mul3A_249 = arith.muli %add3A_247, %mul3A_248 : i32
        %get3A_250 = arith.index_cast %mul3A_249 : i32 to index
        %get3A_251 = tpu.vector_load %arg7[%get3A_250] {strides = array<i32>} : memref<2000xf32, #tpu.memory_space<vmem>>, vector<16xf32>,
        %get3A_252 = arith.index_cast %mul3A_249 : i32 to index
        %get3A_253 = tpu.vector_load %arg8[%get3A_252] {strides = array<i32>} : memref<2000xi32, #tpu.memory_space<vmem>>, vector<16xi32>,
        %get3A_254 = arith.index_cast %mul3A_249 : i32 to index
        %get3A_255 = tpu.vector_load %arg9[%get3A_254] {strides = array<i32>} : memref<2000xi32, #tpu.memory_space<vmem>>, vector<16xi32>,
        %gather3A_256 = tpu.vector_load_idx %arg13[%get3A_253] : memref<10000xf32, #tpu.memory_space<vmem>>[vector<16xi32>], vector<16xf32>,
        %bitcast3A_257 = vector.bitcast %gather3A_256 : vector<16xf32> to vector<16xi32>
        %shift_left3A_258 = arith.constant 16 : i32
        %shift_left3A_259 = vector.broadcast %shift_left3A_258 : i32 to vector<16xi32>
        %shift_left3A_260 = arith.shli %bitcast3A_257, %shift_left3A_259 : vector<16xi32>
        %bitcast3A_261 = vector.bitcast %shift_left3A_260 : vector<16xi32> to vector<16xf32>
        %and3A_262 = vector.broadcast %scan3A_23 : i32 to vector<16xi32>
        %and3A_263 = arith.andi %bitcast3A_257, %and3A_262 : vector<16xi32>
        %bitcast3A_264 = vector.bitcast %and3A_263 : vector<16xi32> to vector<16xf32>
        %mul3A_265 = arith.mulf %get3A_251, %bitcast3A_261 : vector<16xf32>
        tpu.vector_store_idx %arg15[%get3A_255], %mul3A_265 {add = true} : memref<10000xf32, #tpu.memory_space<vmem>>[vector<16xi32>], vector<16xf32>,
        %mul3A_266 = arith.mulf %get3A_251, %bitcast3A_264 : vector<16xf32>
        tpu.vector_store_idx %arg16[%get3A_255], %mul3A_266 {add = true} : memref<10000xf32, #tpu.memory_space<vmem>>[vector<16xi32>], vector<16xf32>,
        %gather3A_267 = tpu.vector_load_idx %arg14[%get3A_253] : memref<10000xf32, #tpu.memory_space<vmem>>[vector<16xi32>], vector<16xf32>,
        %bitcast3A_268 = vector.bitcast %gather3A_267 : vector<16xf32> to vector<16xi32>
        %shift_left3A_269 = arith.constant 16 : i32
        %shift_left3A_270 = vector.broadcast %shift_left3A_269 : i32 to vector<16xi32>
        %shift_left3A_271 = arith.shli %bitcast3A_268, %shift_left3A_270 : vector<16xi32>
        %bitcast3A_272 = vector.bitcast %shift_left3A_271 : vector<16xi32> to vector<16xf32>
        %and3A_273 = vector.broadcast %scan3A_23 : i32 to vector<16xi32>
        %and3A_274 = arith.andi %bitcast3A_268, %and3A_273 : vector<16xi32>
        %bitcast3A_275 = vector.bitcast %and3A_274 : vector<16xi32> to vector<16xf32>
        %mul3A_276 = arith.mulf %get3A_251, %bitcast3A_272 : vector<16xf32>
        tpu.vector_store_idx %arg17[%get3A_255], %mul3A_276 {add = true} : memref<10000xf32, #tpu.memory_space<vmem>>[vector<16xi32>], vector<16xf32>,
        %mul3A_277 = arith.mulf %get3A_251, %bitcast3A_275 : vector<16xf32>
        tpu.vector_store_idx %arg18[%get3A_255], %mul3A_277 {add = true} : memref<10000xf32, #tpu.memory_space<vmem>>[vector<16xi32>], vector<16xf32>,
        %mul3A_278 = arith.constant 5 : i32
        %mul3A_279 = arith.muli %scan3A_212, %mul3A_278 : i32
        %add3A_280 = arith.constant 2 : i32
        %add3A_281 = arith.addi %mul3A_279, %add3A_280 : i32
        %mul3A_282 = arith.constant 16 : i32
        %mul3A_283 = arith.muli %add3A_281, %mul3A_282 : i32
        %get3A_284 = arith.index_cast %mul3A_283 : i32 to index
        %get3A_285 = tpu.vector_load %arg7[%get3A_284] {strides = array<i32>} : memref<2000xf32, #tpu.memory_space<vmem>>, vector<16xf32>,
        %get3A_286 = arith.index_cast %mul3A_283 : i32 to index
        %get3A_287 = tpu.vector_load %arg8[%get3A_286] {strides = array<i32>} : memref<2000xi32, #tpu.memory_space<vmem>>, vector<16xi32>,
        %get3A_288 = arith.index_cast %mul3A_283 : i32 to index
        %get3A_289 = tpu.vector_load %arg9[%get3A_288] {strides = array<i32>} : memref<2000xi32, #tpu.memory_space<vmem>>, vector<16xi32>,
        %gather3A_290 = tpu.vector_load_idx %arg13[%get3A_287] : memref<10000xf32, #tpu.memory_space<vmem>>[vector<16xi32>], vector<16xf32>,
        %bitcast3A_291 = vector.bitcast %gather3A_290 : vector<16xf32> to vector<16xi32>
        %shift_left3A_292 = arith.constant 16 : i32
        %shift_left3A_293 = vector.broadcast %shift_left3A_292 : i32 to vector<16xi32>
        %shift_left3A_294 = arith.shli %bitcast3A_291, %shift_left3A_293 : vector<16xi32>
        %bitcast3A_295 = vector.bitcast %shift_left3A_294 : vector<16xi32> to vector<16xf32>
        %and3A_296 = vector.broadcast %scan3A_23 : i32 to vector<16xi32>
        %and3A_297 = arith.andi %bitcast3A_291, %and3A_296 : vector<16xi32>
        %bitcast3A_298 = vector.bitcast %and3A_297 : vector<16xi32> to vector<16xf32>
        %mul3A_299 = arith.mulf %get3A_285, %bitcast3A_295 : vector<16xf32>
        tpu.vector_store_idx %arg15[%get3A_289], %mul3A_299 {add = true} : memref<10000xf32, #tpu.memory_space<vmem>>[vector<16xi32>], vector<16xf32>,
        %mul3A_300 = arith.mulf %get3A_285, %bitcast3A_298 : vector<16xf32>
        tpu.vector_store_idx %arg16[%get3A_289], %mul3A_300 {add = true} : memref<10000xf32, #tpu.memory_space<vmem>>[vector<16xi32>], vector<16xf32>,
        %gather3A_301 = tpu.vector_load_idx %arg14[%get3A_287] : memref<10000xf32, #tpu.memory_space<vmem>>[vector<16xi32>], vector<16xf32>,
        %bitcast3A_302 = vector.bitcast %gather3A_301 : vector<16xf32> to vector<16xi32>
        %shift_left3A_303 = arith.constant 16 : i32
        %shift_left3A_304 = vector.broadcast %shift_left3A_303 : i32 to vector<16xi32>
        %shift_left3A_305 = arith.shli %bitcast3A_302, %shift_left3A_304 : vector<16xi32>
        %bitcast3A_306 = vector.bitcast %shift_left3A_305 : vector<16xi32> to vector<16xf32>
        %and3A_307 = vector.broadcast %scan3A_23 : i32 to vector<16xi32>
        %and3A_308 = arith.andi %bitcast3A_302, %and3A_307 : vector<16xi32>
        %bitcast3A_309 = vector.bitcast %and3A_308 : vector<16xi32> to vector<16xf32>
        %mul3A_310 = arith.mulf %get3A_285, %bitcast3A_306 : vector<16xf32>
        tpu.vector_store_idx %arg17[%get3A_289], %mul3A_310 {add = true} : memref<10000xf32, #tpu.memory_space<vmem>>[vector<16xi32>], vector<16xf32>,
        %mul3A_311 = arith.mulf %get3A_285, %bitcast3A_309 : vector<16xf32>
        tpu.vector_store_idx %arg18[%get3A_289], %mul3A_311 {add = true} : memref<10000xf32, #tpu.memory_space<vmem>>[vector<16xi32>], vector<16xf32>,
        %mul3A_312 = arith.constant 5 : i32
        %mul3A_313 = arith.muli %scan3A_212, %mul3A_312 : i32
        %add3A_314 = arith.constant 3 : i32
        %add3A_315 = arith.addi %mul3A_313, %add3A_314 : i32
        %mul3A_316 = arith.constant 16 : i32
        %mul3A_317 = arith.muli %add3A_315, %mul3A_316 : i32
        %get3A_318 = arith.index_cast %mul3A_317 : i32 to index
        %get3A_319 = tpu.vector_load %arg7[%get3A_318] {strides = array<i32>} : memref<2000xf32, #tpu.memory_space<vmem>>, vector<16xf32>,
        %get3A_320 = arith.index_cast %mul3A_317 : i32 to index
        %get3A_321 = tpu.vector_load %arg8[%get3A_320] {strides = array<i32>} : memref<2000xi32, #tpu.memory_space<vmem>>, vector<16xi32>,
        %get3A_322 = arith.index_cast %mul3A_317 : i32 to index
        %get3A_323 = tpu.vector_load %arg9[%get3A_322] {strides = array<i32>} : memref<2000xi32, #tpu.memory_space<vmem>>, vector<16xi32>,
        %gather3A_324 = tpu.vector_load_idx %arg13[%get3A_321] : memref<10000xf32, #tpu.memory_space<vmem>>[vector<16xi32>], vector<16xf32>,
        %bitcast3A_325 = vector.bitcast %gather3A_324 : vector<16xf32> to vector<16xi32>
        %shift_left3A_326 = arith.constant 16 : i32
        %shift_left3A_327 = vector.broadcast %shift_left3A_326 : i32 to vector<16xi32>
        %shift_left3A_328 = arith.shli %bitcast3A_325, %shift_left3A_327 : vector<16xi32>
        %bitcast3A_329 = vector.bitcast %shift_left3A_328 : vector<16xi32> to vector<16xf32>
        %and3A_330 = vector.broadcast %scan3A_23 : i32 to vector<16xi32>
        %and3A_331 = arith.andi %bitcast3A_325, %and3A_330 : vector<16xi32>
        %bitcast3A_332 = vector.bitcast %and3A_331 : vector<16xi32> to vector<16xf32>
        %mul3A_333 = arith.mulf %get3A_319, %bitcast3A_329 : vector<16xf32>
        tpu.vector_store_idx %arg15[%get3A_323], %mul3A_333 {add = true} : memref<10000xf32, #tpu.memory_space<vmem>>[vector<16xi32>], vector<16xf32>,
        %mul3A_334 = arith.mulf %get3A_319, %bitcast3A_332 : vector<16xf32>
        tpu.vector_store_idx %arg16[%get3A_323], %mul3A_334 {add = true} : memref<10000xf32, #tpu.memory_space<vmem>>[vector<16xi32>], vector<16xf32>,
        %gather3A_335 = tpu.vector_load_idx %arg14[%get3A_321] : memref<10000xf32, #tpu.memory_space<vmem>>[vector<16xi32>], vector<16xf32>,
        %bitcast3A_336 = vector.bitcast %gather3A_335 : vector<16xf32> to vector<16xi32>
        %shift_left3A_337 = arith.constant 16 : i32
        %shift_left3A_338 = vector.broadcast %shift_left3A_337 : i32 to vector<16xi32>
        %shift_left3A_339 = arith.shli %bitcast3A_336, %shift_left3A_338 : vector<16xi32>
        %bitcast3A_340 = vector.bitcast %shift_left3A_339 : vector<16xi32> to vector<16xf32>
        %and3A_341 = vector.broadcast %scan3A_23 : i32 to vector<16xi32>
        %and3A_342 = arith.andi %bitcast3A_336, %and3A_341 : vector<16xi32>
        %bitcast3A_343 = vector.bitcast %and3A_342 : vector<16xi32> to vector<16xf32>
        %mul3A_344 = arith.mulf %get3A_319, %bitcast3A_340 : vector<16xf32>
        tpu.vector_store_idx %arg17[%get3A_323], %mul3A_344 {add = true} : memref<10000xf32, #tpu.memory_space<vmem>>[vector<16xi32>], vector<16xf32>,
        %mul3A_345 = arith.mulf %get3A_319, %bitcast3A_343 : vector<16xf32>
        tpu.vector_store_idx %arg18[%get3A_323], %mul3A_345 {add = true} : memref<10000xf32, #tpu.memory_space<vmem>>[vector<16xi32>], vector<16xf32>,
        %mul3A_346 = arith.constant 5 : i32
        %mul3A_347 = arith.muli %scan3A_212, %mul3A_346 : i32
        %add3A_348 = arith.constant 4 : i32
        %add3A_349 = arith.addi %mul3A_347, %add3A_348 : i32
        %mul3A_350 = arith.constant 16 : i32
        %mul3A_351 = arith.muli %add3A_349, %mul3A_350 : i32
        %get3A_352 = arith.index_cast %mul3A_351 : i32 to index
        %get3A_353 = tpu.vector_load %arg7[%get3A_352] {strides = array<i32>} : memref<2000xf32, #tpu.memory_space<vmem>>, vector<16xf32>,
        %get3A_354 = arith.index_cast %mul3A_351 : i32 to index
        %get3A_355 = tpu.vector_load %arg8[%get3A_354] {strides = array<i32>} : memref<2000xi32, #tpu.memory_space<vmem>>, vector<16xi32>,
        %get3A_356 = arith.index_cast %mul3A_351 : i32 to index
        %get3A_357 = tpu.vector_load %arg9[%get3A_356] {strides = array<i32>} : memref<2000xi32, #tpu.memory_space<vmem>>, vector<16xi32>,
        %gather3A_358 = tpu.vector_load_idx %arg13[%get3A_355] : memref<10000xf32, #tpu.memory_space<vmem>>[vector<16xi32>], vector<16xf32>,
        %bitcast3A_359 = vector.bitcast %gather3A_358 : vector<16xf32> to vector<16xi32>
        %shift_left3A_360 = arith.constant 16 : i32
        %shift_left3A_361 = vector.broadcast %shift_left3A_360 : i32 to vector<16xi32>
        %shift_left3A_362 = arith.shli %bitcast3A_359, %shift_left3A_361 : vector<16xi32>
        %bitcast3A_363 = vector.bitcast %shift_left3A_362 : vector<16xi32> to vector<16xf32>
        %and3A_364 = vector.broadcast %scan3A_23 : i32 to vector<16xi32>
        %and3A_365 = arith.andi %bitcast3A_359, %and3A_364 : vector<16xi32>
        %bitcast3A_366 = vector.bitcast %and3A_365 : vector<16xi32> to vector<16xf32>
        %mul3A_367 = arith.mulf %get3A_353, %bitcast3A_363 : vector<16xf32>
        tpu.vector_store_idx %arg15[%get3A_357], %mul3A_367 {add = true} : memref<10000xf32, #tpu.memory_space<vmem>>[vector<16xi32>], vector<16xf32>,
        %mul3A_368 = arith.mulf %get3A_353, %bitcast3A_366 : vector<16xf32>
        tpu.vector_store_idx %arg16[%get3A_357], %mul3A_368 {add = true} : memref<10000xf32, #tpu.memory_space<vmem>>[vector<16xi32>], vector<16xf32>,
        %gather3A_369 = tpu.vector_load_idx %arg14[%get3A_355] : memref<10000xf32, #tpu.memory_space<vmem>>[vector<16xi32>], vector<16xf32>,
        %bitcast3A_370 = vector.bitcast %gather3A_369 : vector<16xf32> to vector<16xi32>
        %shift_left3A_371 = arith.constant 16 : i32
        %shift_left3A_372 = vector.broadcast %shift_left3A_371 : i32 to vector<16xi32>
        %shift_left3A_373 = arith.shli %bitcast3A_370, %shift_left3A_372 : vector<16xi32>
        %bitcast3A_374 = vector.bitcast %shift_left3A_373 : vector<16xi32> to vector<16xf32>
        %and3A_375 = vector.broadcast %scan3A_23 : i32 to vector<16xi32>
        %and3A_376 = arith.andi %bitcast3A_370, %and3A_375 : vector<16xi32>
        %bitcast3A_377 = vector.bitcast %and3A_376 : vector<16xi32> to vector<16xf32>
        %mul3A_378 = arith.mulf %get3A_353, %bitcast3A_374 : vector<16xf32>
        tpu.vector_store_idx %arg17[%get3A_357], %mul3A_378 {add = true} : memref<10000xf32, #tpu.memory_space<vmem>>[vector<16xi32>], vector<16xf32>,
        %mul3A_379 = arith.mulf %get3A_353, %bitcast3A_377 : vector<16xf32>
        tpu.vector_store_idx %arg18[%get3A_357], %mul3A_379 {add = true} : memref<10000xf32, #tpu.memory_space<vmem>>[vector<16xi32>], vector<16xf32>,
        %scan3A_380 = arith.constant 0 : i32
        scf.yield %scan3A_380 : i32
      }
      %scan3A_146 = arith.constant 25 : i32
      %jit3A_147 = arith.constant 5 : i32
      %div3A_148 = arith.divsi %add3A_42, %jit3A_147 : i32
      %sign3A_149 = arith.constant 0 : i32
      %sign3A_150 = arith.cmpi sgt, %add3A_42, %sign3A_149 : i32
      %sign3A_151 = arith.extui %sign3A_150 : i1 to i32
      %sign3A_152 = arith.constant 0 : i32
      %sign3A_153 = arith.cmpi slt, %add3A_42, %sign3A_152 : i32
      %sign3A_154 = arith.extui %sign3A_153 : i1 to i32
      %sign3A_155 = arith.subi %sign3A_151, %sign3A_154 : i32
      %sign3A_156 = arith.constant 0 : i32
      %sign3A_157 = arith.cmpi sgt, %jit3A_147, %sign3A_156 : i32
      %sign3A_158 = arith.extui %sign3A_157 : i1 to i32
      %sign3A_159 = arith.constant 0 : i32
      %sign3A_160 = arith.cmpi slt, %jit3A_147, %sign3A_159 : i32
      %sign3A_161 = arith.extui %sign3A_160 : i1 to i32
      %sign3A_162 = arith.subi %sign3A_158, %sign3A_161 : i32
      %ne3A_163 = arith.cmpi ne, %sign3A_155, %sign3A_162 : i32
      %rem3A_164 = arith.remsi %add3A_42, %jit3A_147 : i32
      %ne3A_165 = arith.constant 0 : i32
      %ne3A_166 = arith.cmpi ne, %rem3A_164, %ne3A_165 : i32
      %and3A_167 = arith.andi %ne3A_163, %ne3A_166 : i1
      %sub3A_168 = arith.constant 1 : i32
      %sub3A_169 = arith.subi %div3A_148, %sub3A_168 : i32
      %select_n3A_170 = arith.select %and3A_167, %sub3A_169, %div3A_148 : i32
      %jit3A_171 = arith.constant 5 : i32
      %eq3A_172 = arith.constant 0 : i32
      %eq3A_173 = arith.cmpi eq, %jit3A_171, %eq3A_172 : i32
      %jit3A_174 = arith.constant 1 : i32
      %select_n3A_175 = arith.select %eq3A_173, %jit3A_174, %jit3A_171 : i32
      %rem3A_176 = arith.remsi %add3A_42, %select_n3A_175 : i32
      %ne3A_177 = arith.constant 0 : i32
      %ne3A_178 = arith.cmpi ne, %rem3A_176, %ne3A_177 : i32
      %lt3A_179 = arith.constant 0 : i32
      %lt3A_180 = arith.cmpi slt, %rem3A_176, %lt3A_179 : i32
      %lt3A_181 = arith.constant 0 : i32
      %lt3A_182 = arith.cmpi slt, %select_n3A_175, %lt3A_181 : i32
      %ne3A_183 = arith.xori %lt3A_180, %lt3A_182 : i1
      %and3A_184 = arith.andi %ne3A_183, %ne3A_178 : i1
      %add3A_185 = arith.addi %rem3A_176, %select_n3A_175 : i32
      %select_n3A_186 = arith.select %and3A_184, %add3A_185, %rem3A_176 : i32
      %dma_wait3A_187 = arith.constant 0 : i32
      %dma_wait3A_188 = tpu.memref_slice %arg2[%select_n3A_170, %select_n3A_186, %dma_wait3A_187] : memref<32x5x2000xf32, #tpu.memory_space<hbm>> -> memref<1x1x2000xf32, #tpu.memory_space<hbm>>
      %dma_wait3A_189 = tpu.memref_squeeze %dma_wait3A_188 : memref<1x1x2000xf32, #tpu.memory_space<hbm>> -> memref<2000xf32, #tpu.memory_space<hbm>>
      %dma_wait3A_190 = arith.constant 0 : i32
      %dma_wait3A_191 = tpu.memref_slice %arg2[%select_n3A_170, %select_n3A_186, %dma_wait3A_190] : memref<32x5x2000xf32, #tpu.memory_space<hbm>> -> memref<1x1x2000xf32, #tpu.memory_space<hbm>>
      %dma_wait3A_192 = tpu.memref_squeeze %dma_wait3A_191 : memref<1x1x2000xf32, #tpu.memory_space<hbm>> -> memref<2000xf32, #tpu.memory_space<hbm>>
      tpu.wait_dma2 semaphore(%arg22 : memref<!tpu.dma_semaphore, #tpu.memory_space<semaphore_mem>>) src(%dma_wait3A_192 : memref<2000xf32, #tpu.memory_space<hbm>>) dst(%arg10 : memref<2000xf32, #tpu.memory_space<vmem>>)
      %mul3A_193 = arith.constant 2000 : i32
      %mul3A_194 = arith.muli %add3A_42, %mul3A_193 : i32
      %dma_wait3A_195 = tpu.memref_slice %arg3[%mul3A_194] : memref<320000xi32, #tpu.memory_space<hbm>> -> memref<2000xi32, #tpu.memory_space<hbm>>
      %dma_wait3A_196 = tpu.memref_slice %arg3[%mul3A_194] : memref<320000xi32, #tpu.memory_space<hbm>> -> memref<2000xi32, #tpu.memory_space<hbm>>
      tpu.wait_dma2 semaphore(%arg23 : memref<!tpu.dma_semaphore, #tpu.memory_space<semaphore_mem>>) src(%dma_wait3A_196 : memref<2000xi32, #tpu.memory_space<hbm>>) dst(%arg11 : memref<2000xi32, #tpu.memory_space<vmem>>)
      %mul3A_197 = arith.constant 2000 : i32
      %mul3A_198 = arith.muli %add3A_42, %mul3A_197 : i32
      %dma_wait3A_199 = tpu.memref_slice %arg4[%mul3A_198] : memref<320000xi32, #tpu.memory_space<hbm>> -> memref<2000xi32, #tpu.memory_space<hbm>>
      %dma_wait3A_200 = tpu.memref_slice %arg4[%mul3A_198] : memref<320000xi32, #tpu.memory_space<hbm>> -> memref<2000xi32, #tpu.memory_space<hbm>>
      tpu.wait_dma2 semaphore(%arg24 : memref<!tpu.dma_semaphore, #tpu.memory_space<semaphore_mem>>) src(%dma_wait3A_200 : memref<2000xi32, #tpu.memory_space<hbm>>) dst(%arg12 : memref<2000xi32, #tpu.memory_space<vmem>>)
      %lt3A_201 = arith.constant 79 : i32
      %lt3A_202 = arith.cmpi slt, %scan3A_35, %lt3A_201 : i32
      %convert_element_type3A = arith.extui %lt3A_202 : i1 to i32
      %cond3A = arith.constant 0 : i32
      %cond3A_203 = arith.cmpi ne, %convert_element_type3A, %cond3A : i32
      scf.if %cond3A_203 {
        %add3A_212 = arith.constant 2 : i32
        %add3A_213 = arith.addi %mul3A_38, %add3A_212 : i32
        %jit3A_214 = arith.constant 5 : i32
        %div3A_215 = arith.divsi %add3A_213, %jit3A_214 : i32
        %sign3A_216 = arith.constant 0 : i32
        %sign3A_217 = arith.cmpi sgt, %add3A_213, %sign3A_216 : i32
        %sign3A_218 = arith.extui %sign3A_217 : i1 to i32
        %sign3A_219 = arith.constant 0 : i32
        %sign3A_220 = arith.cmpi slt, %add3A_213, %sign3A_219 : i32
        %sign3A_221 = arith.extui %sign3A_220 : i1 to i32
        %sign3A_222 = arith.subi %sign3A_218, %sign3A_221 : i32
        %sign3A_223 = arith.constant 0 : i32
        %sign3A_224 = arith.cmpi sgt, %jit3A_214, %sign3A_223 : i32
        %sign3A_225 = arith.extui %sign3A_224 : i1 to i32
        %sign3A_226 = arith.constant 0 : i32
        %sign3A_227 = arith.cmpi slt, %jit3A_214, %sign3A_226 : i32
        %sign3A_228 = arith.extui %sign3A_227 : i1 to i32
        %sign3A_229 = arith.subi %sign3A_225, %sign3A_228 : i32
        %ne3A_230 = arith.cmpi ne, %sign3A_222, %sign3A_229 : i32
        %rem3A_231 = arith.remsi %add3A_213, %jit3A_214 : i32
        %ne3A_232 = arith.constant 0 : i32
        %ne3A_233 = arith.cmpi ne, %rem3A_231, %ne3A_232 : i32
        %and3A_234 = arith.andi %ne3A_230, %ne3A_233 : i1
        %sub3A_235 = arith.constant 1 : i32
        %sub3A_236 = arith.subi %div3A_215, %sub3A_235 : i32
        %select_n3A_237 = arith.select %and3A_234, %sub3A_236, %div3A_215 : i32
        %jit3A_238 = arith.constant 5 : i32
        %eq3A_239 = arith.constant 0 : i32
        %eq3A_240 = arith.cmpi eq, %jit3A_238, %eq3A_239 : i32
        %jit3A_241 = arith.constant 1 : i32
        %select_n3A_242 = arith.select %eq3A_240, %jit3A_241, %jit3A_238 : i32
        %rem3A_243 = arith.remsi %add3A_213, %select_n3A_242 : i32
        %ne3A_244 = arith.constant 0 : i32
        %ne3A_245 = arith.cmpi ne, %rem3A_243, %ne3A_244 : i32
        %lt3A_246 = arith.constant 0 : i32
        %lt3A_247 = arith.cmpi slt, %rem3A_243, %lt3A_246 : i32
        %lt3A_248 = arith.constant 0 : i32
        %lt3A_249 = arith.cmpi slt, %select_n3A_242, %lt3A_248 : i32
        %ne3A_250 = arith.xori %lt3A_247, %lt3A_249 : i1
        %and3A_251 = arith.andi %ne3A_250, %ne3A_245 : i1
        %add3A_252 = arith.addi %rem3A_243, %select_n3A_242 : i32
        %select_n3A_253 = arith.select %and3A_251, %add3A_252, %rem3A_243 : i32
        %dma_start3A_254 = arith.constant 0 : i32
        %dma_start3A_255 = tpu.memref_slice %arg2[%select_n3A_237, %select_n3A_253, %dma_start3A_254] : memref<32x5x2000xf32, #tpu.memory_space<hbm>> -> memref<1x1x2000xf32, #tpu.memory_space<hbm>>
        %dma_start3A_256 = tpu.memref_squeeze %dma_start3A_255 : memref<1x1x2000xf32, #tpu.memory_space<hbm>> -> memref<2000xf32, #tpu.memory_space<hbm>>
        %dma_start3A_257 = arith.constant 0 : i32
        %dma_start3A_258 = tpu.memref_slice %arg2[%select_n3A_237, %select_n3A_253, %dma_start3A_257] : memref<32x5x2000xf32, #tpu.memory_space<hbm>> -> memref<1x1x2000xf32, #tpu.memory_space<hbm>>
        %dma_start3A_259 = tpu.memref_squeeze %dma_start3A_258 : memref<1x1x2000xf32, #tpu.memory_space<hbm>> -> memref<2000xf32, #tpu.memory_space<hbm>>
        tpu.enqueue_dma source(%dma_start3A_259 : memref<2000xf32, #tpu.memory_space<hbm>>) target(%arg7 : memref<2000xf32, #tpu.memory_space<vmem>>) target_semaphore(%arg19 : memref<!tpu.dma_semaphore, #tpu.memory_space<semaphore_mem>>)
        %mul3A_260 = arith.constant 2000 : i32
        %mul3A_261 = arith.muli %add3A_213, %mul3A_260 : i32
        %dma_start3A_262 = tpu.memref_slice %arg3[%mul3A_261] : memref<320000xi32, #tpu.memory_space<hbm>> -> memref<2000xi32, #tpu.memory_space<hbm>>
        %dma_start3A_263 = tpu.memref_slice %arg3[%mul3A_261] : memref<320000xi32, #tpu.memory_space<hbm>> -> memref<2000xi32, #tpu.memory_space<hbm>>
        tpu.enqueue_dma source(%dma_start3A_263 : memref<2000xi32, #tpu.memory_space<hbm>>) target(%arg8 : memref<2000xi32, #tpu.memory_space<vmem>>) target_semaphore(%arg20 : memref<!tpu.dma_semaphore, #tpu.memory_space<semaphore_mem>>)
        %mul3A_264 = arith.constant 2000 : i32
        %mul3A_265 = arith.muli %add3A_213, %mul3A_264 : i32
        %dma_start3A_266 = tpu.memref_slice %arg4[%mul3A_265] : memref<320000xi32, #tpu.memory_space<hbm>> -> memref<2000xi32, #tpu.memory_space<hbm>>
        %dma_start3A_267 = tpu.memref_slice %arg4[%mul3A_265] : memref<320000xi32, #tpu.memory_space<hbm>> -> memref<2000xi32, #tpu.memory_space<hbm>>
        tpu.enqueue_dma source(%dma_start3A_267 : memref<2000xi32, #tpu.memory_space<hbm>>) target(%arg9 : memref<2000xi32, #tpu.memory_space<vmem>>) target_semaphore(%arg21 : memref<!tpu.dma_semaphore, #tpu.memory_space<semaphore_mem>>)
      } else {
      }
      %scan3A_204 = arith.constant 0 : i32
      %scan3A_205 = arith.constant 0 : i32
      %scan3A_206 = arith.constant 25 : i32
      %scan3A_207 = arith.addi %scan3A_205, %scan3A_206 : i32
      %scan3A_208 = arith.constant 1 : i32
      %scan3A_209 = scf.for %scan3A_212 = %scan3A_205 to %scan3A_207 step %scan3A_208 iter_args(%scan3A_213 = %scan3A_204) -> (i32)  : i32 {
        %mul3A_214 = arith.constant 5 : i32
        %mul3A_215 = arith.muli %scan3A_212, %mul3A_214 : i32
        %add3A_216 = arith.constant 0 : i32
        %add3A_217 = arith.addi %mul3A_215, %add3A_216 : i32
        %mul3A_218 = arith.constant 16 : i32
        %mul3A_219 = arith.muli %add3A_217, %mul3A_218 : i32
        %get3A = arith.index_cast %mul3A_219 : i32 to index
        %get3A_220 = tpu.vector_load %arg10[%get3A] {strides = array<i32>} : memref<2000xf32, #tpu.memory_space<vmem>>, vector<16xf32>,
        %get3A_221 = arith.index_cast %mul3A_219 : i32 to index
        %get3A_222 = tpu.vector_load %arg11[%get3A_221] {strides = array<i32>} : memref<2000xi32, #tpu.memory_space<vmem>>, vector<16xi32>,
        %get3A_223 = arith.index_cast %mul3A_219 : i32 to index
        %get3A_224 = tpu.vector_load %arg12[%get3A_223] {strides = array<i32>} : memref<2000xi32, #tpu.memory_space<vmem>>, vector<16xi32>,
        %gather3A = tpu.vector_load_idx %arg13[%get3A_222] : memref<10000xf32, #tpu.memory_space<vmem>>[vector<16xi32>], vector<16xf32>,
        %bitcast3A = vector.bitcast %gather3A : vector<16xf32> to vector<16xi32>
        %shift_left3A = arith.constant 16 : i32
        %shift_left3A_225 = vector.broadcast %shift_left3A : i32 to vector<16xi32>
        %shift_left3A_226 = arith.shli %bitcast3A, %shift_left3A_225 : vector<16xi32>
        %bitcast3A_227 = vector.bitcast %shift_left3A_226 : vector<16xi32> to vector<16xf32>
        %and3A_228 = vector.broadcast %scan3A_23 : i32 to vector<16xi32>
        %and3A_229 = arith.andi %bitcast3A, %and3A_228 : vector<16xi32>
        %bitcast3A_230 = vector.bitcast %and3A_229 : vector<16xi32> to vector<16xf32>
        %mul3A_231 = arith.mulf %get3A_220, %bitcast3A_227 : vector<16xf32>
        tpu.vector_store_idx %arg15[%get3A_224], %mul3A_231 {add = true} : memref<10000xf32, #tpu.memory_space<vmem>>[vector<16xi32>], vector<16xf32>,
        %mul3A_232 = arith.mulf %get3A_220, %bitcast3A_230 : vector<16xf32>
        tpu.vector_store_idx %arg16[%get3A_224], %mul3A_232 {add = true} : memref<10000xf32, #tpu.memory_space<vmem>>[vector<16xi32>], vector<16xf32>,
        %gather3A_233 = tpu.vector_load_idx %arg14[%get3A_222] : memref<10000xf32, #tpu.memory_space<vmem>>[vector<16xi32>], vector<16xf32>,
        %bitcast3A_234 = vector.bitcast %gather3A_233 : vector<16xf32> to vector<16xi32>
        %shift_left3A_235 = arith.constant 16 : i32
        %shift_left3A_236 = vector.broadcast %shift_left3A_235 : i32 to vector<16xi32>
        %shift_left3A_237 = arith.shli %bitcast3A_234, %shift_left3A_236 : vector<16xi32>
        %bitcast3A_238 = vector.bitcast %shift_left3A_237 : vector<16xi32> to vector<16xf32>
        %and3A_239 = vector.broadcast %scan3A_23 : i32 to vector<16xi32>
        %and3A_240 = arith.andi %bitcast3A_234, %and3A_239 : vector<16xi32>
        %bitcast3A_241 = vector.bitcast %and3A_240 : vector<16xi32> to vector<16xf32>
        %mul3A_242 = arith.mulf %get3A_220, %bitcast3A_238 : vector<16xf32>
        tpu.vector_store_idx %arg17[%get3A_224], %mul3A_242 {add = true} : memref<10000xf32, #tpu.memory_space<vmem>>[vector<16xi32>], vector<16xf32>,
        %mul3A_243 = arith.mulf %get3A_220, %bitcast3A_241 : vector<16xf32>
        tpu.vector_store_idx %arg18[%get3A_224], %mul3A_243 {add = true} : memref<10000xf32, #tpu.memory_space<vmem>>[vector<16xi32>], vector<16xf32>,
        %mul3A_244 = arith.constant 5 : i32
        %mul3A_245 = arith.muli %scan3A_212, %mul3A_244 : i32
        %add3A_246 = arith.constant 1 : i32
        %add3A_247 = arith.addi %mul3A_245, %add3A_246 : i32
        %mul3A_248 = arith.constant 16 : i32
        %mul3A_249 = arith.muli %add3A_247, %mul3A_248 : i32
        %get3A_250 = arith.index_cast %mul3A_249 : i32 to index
        %get3A_251 = tpu.vector_load %arg10[%get3A_250] {strides = array<i32>} : memref<2000xf32, #tpu.memory_space<vmem>>, vector<16xf32>,
        %get3A_252 = arith.index_cast %mul3A_249 : i32 to index
        %get3A_253 = tpu.vector_load %arg11[%get3A_252] {strides = array<i32>} : memref<2000xi32, #tpu.memory_space<vmem>>, vector<16xi32>,
        %get3A_254 = arith.index_cast %mul3A_249 : i32 to index
        %get3A_255 = tpu.vector_load %arg12[%get3A_254] {strides = array<i32>} : memref<2000xi32, #tpu.memory_space<vmem>>, vector<16xi32>,
        %gather3A_256 = tpu.vector_load_idx %arg13[%get3A_253] : memref<10000xf32, #tpu.memory_space<vmem>>[vector<16xi32>], vector<16xf32>,
        %bitcast3A_257 = vector.bitcast %gather3A_256 : vector<16xf32> to vector<16xi32>
        %shift_left3A_258 = arith.constant 16 : i32
        %shift_left3A_259 = vector.broadcast %shift_left3A_258 : i32 to vector<16xi32>
        %shift_left3A_260 = arith.shli %bitcast3A_257, %shift_left3A_259 : vector<16xi32>
        %bitcast3A_261 = vector.bitcast %shift_left3A_260 : vector<16xi32> to vector<16xf32>
        %and3A_262 = vector.broadcast %scan3A_23 : i32 to vector<16xi32>
        %and3A_263 = arith.andi %bitcast3A_257, %and3A_262 : vector<16xi32>
        %bitcast3A_264 = vector.bitcast %and3A_263 : vector<16xi32> to vector<16xf32>
        %mul3A_265 = arith.mulf %get3A_251, %bitcast3A_261 : vector<16xf32>
        tpu.vector_store_idx %arg15[%get3A_255], %mul3A_265 {add = true} : memref<10000xf32, #tpu.memory_space<vmem>>[vector<16xi32>], vector<16xf32>,
        %mul3A_266 = arith.mulf %get3A_251, %bitcast3A_264 : vector<16xf32>
        tpu.vector_store_idx %arg16[%get3A_255], %mul3A_266 {add = true} : memref<10000xf32, #tpu.memory_space<vmem>>[vector<16xi32>], vector<16xf32>,
        %gather3A_267 = tpu.vector_load_idx %arg14[%get3A_253] : memref<10000xf32, #tpu.memory_space<vmem>>[vector<16xi32>], vector<16xf32>,
        %bitcast3A_268 = vector.bitcast %gather3A_267 : vector<16xf32> to vector<16xi32>
        %shift_left3A_269 = arith.constant 16 : i32
        %shift_left3A_270 = vector.broadcast %shift_left3A_269 : i32 to vector<16xi32>
        %shift_left3A_271 = arith.shli %bitcast3A_268, %shift_left3A_270 : vector<16xi32>
        %bitcast3A_272 = vector.bitcast %shift_left3A_271 : vector<16xi32> to vector<16xf32>
        %and3A_273 = vector.broadcast %scan3A_23 : i32 to vector<16xi32>
        %and3A_274 = arith.andi %bitcast3A_268, %and3A_273 : vector<16xi32>
        %bitcast3A_275 = vector.bitcast %and3A_274 : vector<16xi32> to vector<16xf32>
        %mul3A_276 = arith.mulf %get3A_251, %bitcast3A_272 : vector<16xf32>
        tpu.vector_store_idx %arg17[%get3A_255], %mul3A_276 {add = true} : memref<10000xf32, #tpu.memory_space<vmem>>[vector<16xi32>], vector<16xf32>,
        %mul3A_277 = arith.mulf %get3A_251, %bitcast3A_275 : vector<16xf32>
        tpu.vector_store_idx %arg18[%get3A_255], %mul3A_277 {add = true} : memref<10000xf32, #tpu.memory_space<vmem>>[vector<16xi32>], vector<16xf32>,
        %mul3A_278 = arith.constant 5 : i32
        %mul3A_279 = arith.muli %scan3A_212, %mul3A_278 : i32
        %add3A_280 = arith.constant 2 : i32
        %add3A_281 = arith.addi %mul3A_279, %add3A_280 : i32
        %mul3A_282 = arith.constant 16 : i32
        %mul3A_283 = arith.muli %add3A_281, %mul3A_282 : i32
        %get3A_284 = arith.index_cast %mul3A_283 : i32 to index
        %get3A_285 = tpu.vector_load %arg10[%get3A_284] {strides = array<i32>} : memref<2000xf32, #tpu.memory_space<vmem>>, vector<16xf32>,
        %get3A_286 = arith.index_cast %mul3A_283 : i32 to index
        %get3A_287 = tpu.vector_load %arg11[%get3A_286] {strides = array<i32>} : memref<2000xi32, #tpu.memory_space<vmem>>, vector<16xi32>,
        %get3A_288 = arith.index_cast %mul3A_283 : i32 to index
        %get3A_289 = tpu.vector_load %arg12[%get3A_288] {strides = array<i32>} : memref<2000xi32, #tpu.memory_space<vmem>>, vector<16xi32>,
        %gather3A_290 = tpu.vector_load_idx %arg13[%get3A_287] : memref<10000xf32, #tpu.memory_space<vmem>>[vector<16xi32>], vector<16xf32>,
        %bitcast3A_291 = vector.bitcast %gather3A_290 : vector<16xf32> to vector<16xi32>
        %shift_left3A_292 = arith.constant 16 : i32
        %shift_left3A_293 = vector.broadcast %shift_left3A_292 : i32 to vector<16xi32>
        %shift_left3A_294 = arith.shli %bitcast3A_291, %shift_left3A_293 : vector<16xi32>
        %bitcast3A_295 = vector.bitcast %shift_left3A_294 : vector<16xi32> to vector<16xf32>
        %and3A_296 = vector.broadcast %scan3A_23 : i32 to vector<16xi32>
        %and3A_297 = arith.andi %bitcast3A_291, %and3A_296 : vector<16xi32>
        %bitcast3A_298 = vector.bitcast %and3A_297 : vector<16xi32> to vector<16xf32>
        %mul3A_299 = arith.mulf %get3A_285, %bitcast3A_295 : vector<16xf32>
        tpu.vector_store_idx %arg15[%get3A_289], %mul3A_299 {add = true} : memref<10000xf32, #tpu.memory_space<vmem>>[vector<16xi32>], vector<16xf32>,
        %mul3A_300 = arith.mulf %get3A_285, %bitcast3A_298 : vector<16xf32>
        tpu.vector_store_idx %arg16[%get3A_289], %mul3A_300 {add = true} : memref<10000xf32, #tpu.memory_space<vmem>>[vector<16xi32>], vector<16xf32>,
        %gather3A_301 = tpu.vector_load_idx %arg14[%get3A_287] : memref<10000xf32, #tpu.memory_space<vmem>>[vector<16xi32>], vector<16xf32>,
        %bitcast3A_302 = vector.bitcast %gather3A_301 : vector<16xf32> to vector<16xi32>
        %shift_left3A_303 = arith.constant 16 : i32
        %shift_left3A_304 = vector.broadcast %shift_left3A_303 : i32 to vector<16xi32>
        %shift_left3A_305 = arith.shli %bitcast3A_302, %shift_left3A_304 : vector<16xi32>
        %bitcast3A_306 = vector.bitcast %shift_left3A_305 : vector<16xi32> to vector<16xf32>
        %and3A_307 = vector.broadcast %scan3A_23 : i32 to vector<16xi32>
        %and3A_308 = arith.andi %bitcast3A_302, %and3A_307 : vector<16xi32>
        %bitcast3A_309 = vector.bitcast %and3A_308 : vector<16xi32> to vector<16xf32>
        %mul3A_310 = arith.mulf %get3A_285, %bitcast3A_306 : vector<16xf32>
        tpu.vector_store_idx %arg17[%get3A_289], %mul3A_310 {add = true} : memref<10000xf32, #tpu.memory_space<vmem>>[vector<16xi32>], vector<16xf32>,
        %mul3A_311 = arith.mulf %get3A_285, %bitcast3A_309 : vector<16xf32>
        tpu.vector_store_idx %arg18[%get3A_289], %mul3A_311 {add = true} : memref<10000xf32, #tpu.memory_space<vmem>>[vector<16xi32>], vector<16xf32>,
        %mul3A_312 = arith.constant 5 : i32
        %mul3A_313 = arith.muli %scan3A_212, %mul3A_312 : i32
        %add3A_314 = arith.constant 3 : i32
        %add3A_315 = arith.addi %mul3A_313, %add3A_314 : i32
        %mul3A_316 = arith.constant 16 : i32
        %mul3A_317 = arith.muli %add3A_315, %mul3A_316 : i32
        %get3A_318 = arith.index_cast %mul3A_317 : i32 to index
        %get3A_319 = tpu.vector_load %arg10[%get3A_318] {strides = array<i32>} : memref<2000xf32, #tpu.memory_space<vmem>>, vector<16xf32>,
        %get3A_320 = arith.index_cast %mul3A_317 : i32 to index
        %get3A_321 = tpu.vector_load %arg11[%get3A_320] {strides = array<i32>} : memref<2000xi32, #tpu.memory_space<vmem>>, vector<16xi32>,
        %get3A_322 = arith.index_cast %mul3A_317 : i32 to index
        %get3A_323 = tpu.vector_load %arg12[%get3A_322] {strides = array<i32>} : memref<2000xi32, #tpu.memory_space<vmem>>, vector<16xi32>,
        %gather3A_324 = tpu.vector_load_idx %arg13[%get3A_321] : memref<10000xf32, #tpu.memory_space<vmem>>[vector<16xi32>], vector<16xf32>,
        %bitcast3A_325 = vector.bitcast %gather3A_324 : vector<16xf32> to vector<16xi32>
        %shift_left3A_326 = arith.constant 16 : i32
        %shift_left3A_327 = vector.broadcast %shift_left3A_326 : i32 to vector<16xi32>
        %shift_left3A_328 = arith.shli %bitcast3A_325, %shift_left3A_327 : vector<16xi32>
        %bitcast3A_329 = vector.bitcast %shift_left3A_328 : vector<16xi32> to vector<16xf32>
        %and3A_330 = vector.broadcast %scan3A_23 : i32 to vector<16xi32>
        %and3A_331 = arith.andi %bitcast3A_325, %and3A_330 : vector<16xi32>
        %bitcast3A_332 = vector.bitcast %and3A_331 : vector<16xi32> to vector<16xf32>
        %mul3A_333 = arith.mulf %get3A_319, %bitcast3A_329 : vector<16xf32>
        tpu.vector_store_idx %arg15[%get3A_323], %mul3A_333 {add = true} : memref<10000xf32, #tpu.memory_space<vmem>>[vector<16xi32>], vector<16xf32>,
        %mul3A_334 = arith.mulf %get3A_319, %bitcast3A_332 : vector<16xf32>
        tpu.vector_store_idx %arg16[%get3A_323], %mul3A_334 {add = true} : memref<10000xf32, #tpu.memory_space<vmem>>[vector<16xi32>], vector<16xf32>,
        %gather3A_335 = tpu.vector_load_idx %arg14[%get3A_321] : memref<10000xf32, #tpu.memory_space<vmem>>[vector<16xi32>], vector<16xf32>,
        %bitcast3A_336 = vector.bitcast %gather3A_335 : vector<16xf32> to vector<16xi32>
        %shift_left3A_337 = arith.constant 16 : i32
        %shift_left3A_338 = vector.broadcast %shift_left3A_337 : i32 to vector<16xi32>
        %shift_left3A_339 = arith.shli %bitcast3A_336, %shift_left3A_338 : vector<16xi32>
        %bitcast3A_340 = vector.bitcast %shift_left3A_339 : vector<16xi32> to vector<16xf32>
        %and3A_341 = vector.broadcast %scan3A_23 : i32 to vector<16xi32>
        %and3A_342 = arith.andi %bitcast3A_336, %and3A_341 : vector<16xi32>
        %bitcast3A_343 = vector.bitcast %and3A_342 : vector<16xi32> to vector<16xf32>
        %mul3A_344 = arith.mulf %get3A_319, %bitcast3A_340 : vector<16xf32>
        tpu.vector_store_idx %arg17[%get3A_323], %mul3A_344 {add = true} : memref<10000xf32, #tpu.memory_space<vmem>>[vector<16xi32>], vector<16xf32>,
        %mul3A_345 = arith.mulf %get3A_319, %bitcast3A_343 : vector<16xf32>
        tpu.vector_store_idx %arg18[%get3A_323], %mul3A_345 {add = true} : memref<10000xf32, #tpu.memory_space<vmem>>[vector<16xi32>], vector<16xf32>,
        %mul3A_346 = arith.constant 5 : i32
        %mul3A_347 = arith.muli %scan3A_212, %mul3A_346 : i32
        %add3A_348 = arith.constant 4 : i32
        %add3A_349 = arith.addi %mul3A_347, %add3A_348 : i32
        %mul3A_350 = arith.constant 16 : i32
        %mul3A_351 = arith.muli %add3A_349, %mul3A_350 : i32
        %get3A_352 = arith.index_cast %mul3A_351 : i32 to index
        %get3A_353 = tpu.vector_load %arg10[%get3A_352] {strides = array<i32>} : memref<2000xf32, #tpu.memory_space<vmem>>, vector<16xf32>,
        %get3A_354 = arith.index_cast %mul3A_351 : i32 to index
        %get3A_355 = tpu.vector_load %arg11[%get3A_354] {strides = array<i32>} : memref<2000xi32, #tpu.memory_space<vmem>>, vector<16xi32>,
        %get3A_356 = arith.index_cast %mul3A_351 : i32 to index
        %get3A_357 = tpu.vector_load %arg12[%get3A_356] {strides = array<i32>} : memref<2000xi32, #tpu.memory_space<vmem>>, vector<16xi32>,
        %gather3A_358 = tpu.vector_load_idx %arg13[%get3A_355] : memref<10000xf32, #tpu.memory_space<vmem>>[vector<16xi32>], vector<16xf32>,
        %bitcast3A_359 = vector.bitcast %gather3A_358 : vector<16xf32> to vector<16xi32>
        %shift_left3A_360 = arith.constant 16 : i32
        %shift_left3A_361 = vector.broadcast %shift_left3A_360 : i32 to vector<16xi32>
        %shift_left3A_362 = arith.shli %bitcast3A_359, %shift_left3A_361 : vector<16xi32>
        %bitcast3A_363 = vector.bitcast %shift_left3A_362 : vector<16xi32> to vector<16xf32>
        %and3A_364 = vector.broadcast %scan3A_23 : i32 to vector<16xi32>
        %and3A_365 = arith.andi %bitcast3A_359, %and3A_364 : vector<16xi32>
        %bitcast3A_366 = vector.bitcast %and3A_365 : vector<16xi32> to vector<16xf32>
        %mul3A_367 = arith.mulf %get3A_353, %bitcast3A_363 : vector<16xf32>
        tpu.vector_store_idx %arg15[%get3A_357], %mul3A_367 {add = true} : memref<10000xf32, #tpu.memory_space<vmem>>[vector<16xi32>], vector<16xf32>,
        %mul3A_368 = arith.mulf %get3A_353, %bitcast3A_366 : vector<16xf32>
        tpu.vector_store_idx %arg16[%get3A_357], %mul3A_368 {add = true} : memref<10000xf32, #tpu.memory_space<vmem>>[vector<16xi32>], vector<16xf32>,
        %gather3A_369 = tpu.vector_load_idx %arg14[%get3A_355] : memref<10000xf32, #tpu.memory_space<vmem>>[vector<16xi32>], vector<16xf32>,
        %bitcast3A_370 = vector.bitcast %gather3A_369 : vector<16xf32> to vector<16xi32>
        %shift_left3A_371 = arith.constant 16 : i32
        %shift_left3A_372 = vector.broadcast %shift_left3A_371 : i32 to vector<16xi32>
        %shift_left3A_373 = arith.shli %bitcast3A_370, %shift_left3A_372 : vector<16xi32>
        %bitcast3A_374 = vector.bitcast %shift_left3A_373 : vector<16xi32> to vector<16xf32>
        %and3A_375 = vector.broadcast %scan3A_23 : i32 to vector<16xi32>
        %and3A_376 = arith.andi %bitcast3A_370, %and3A_375 : vector<16xi32>
        %bitcast3A_377 = vector.bitcast %and3A_376 : vector<16xi32> to vector<16xf32>
        %mul3A_378 = arith.mulf %get3A_353, %bitcast3A_374 : vector<16xf32>
        tpu.vector_store_idx %arg17[%get3A_357], %mul3A_378 {add = true} : memref<10000xf32, #tpu.memory_space<vmem>>[vector<16xi32>], vector<16xf32>,
        %mul3A_379 = arith.mulf %get3A_353, %bitcast3A_377 : vector<16xf32>
        tpu.vector_store_idx %arg18[%get3A_357], %mul3A_379 {add = true} : memref<10000xf32, #tpu.memory_space<vmem>>[vector<16xi32>], vector<16xf32>,
        %scan3A_380 = arith.constant 0 : i32
        scf.yield %scan3A_380 : i32
      }
      %scan3A_210 = arith.constant 25 : i32
      %scan3A_211 = arith.constant 0 : i32
      scf.yield %scan3A_211 : i32
    }
    %scan3A_30 = arith.constant 80 : i32
    %run_scoped3A_31 = arith.constant 0 : i32
    "tpu.region"() ({
      %run_scoped3A_35 = tpu.sem_alloc : memref<!tpu.dma_semaphore, #tpu.memory_space<semaphore_mem>>
      %dma_start3A_36 = arith.constant 0 : i32
      %dma_start3A_37 = tpu.memref_slice %arg6[%add3A, %run_scoped3A_31, %dma_start3A_36] : memref<32x4x10000xf32, #tpu.memory_space<hbm>> -> memref<1x1x10000xf32, #tpu.memory_space<hbm>>
      %dma_start3A_38 = tpu.memref_squeeze %dma_start3A_37 : memref<1x1x10000xf32, #tpu.memory_space<hbm>> -> memref<10000xf32, #tpu.memory_space<hbm>>
      %dma_start3A_39 = arith.constant 0 : i32
      %dma_start3A_40 = tpu.memref_slice %arg6[%add3A, %run_scoped3A_31, %dma_start3A_39] : memref<32x4x10000xf32, #tpu.memory_space<hbm>> -> memref<1x1x10000xf32, #tpu.memory_space<hbm>>
      %dma_start3A_41 = tpu.memref_squeeze %dma_start3A_40 : memref<1x1x10000xf32, #tpu.memory_space<hbm>> -> memref<10000xf32, #tpu.memory_space<hbm>>
      tpu.enqueue_dma source(%arg15 : memref<10000xf32, #tpu.memory_space<vmem>>) target(%dma_start3A_41 : memref<10000xf32, #tpu.memory_space<hbm>>) target_semaphore(%run_scoped3A_35 : memref<!tpu.dma_semaphore, #tpu.memory_space<semaphore_mem>>)
      %dma_wait3A = arith.constant 0 : i32
      %dma_wait3A_42 = tpu.memref_slice %arg6[%add3A, %run_scoped3A_31, %dma_wait3A] : memref<32x4x10000xf32, #tpu.memory_space<hbm>> -> memref<1x1x10000xf32, #tpu.memory_space<hbm>>
      %dma_wait3A_43 = tpu.memref_squeeze %dma_wait3A_42 : memref<1x1x10000xf32, #tpu.memory_space<hbm>> -> memref<10000xf32, #tpu.memory_space<hbm>>
      %dma_wait3A_44 = arith.constant 0 : i32
      %dma_wait3A_45 = tpu.memref_slice %arg6[%add3A, %run_scoped3A_31, %dma_wait3A_44] : memref<32x4x10000xf32, #tpu.memory_space<hbm>> -> memref<1x1x10000xf32, #tpu.memory_space<hbm>>
      %dma_wait3A_46 = tpu.memref_squeeze %dma_wait3A_45 : memref<1x1x10000xf32, #tpu.memory_space<hbm>> -> memref<10000xf32, #tpu.memory_space<hbm>>
      tpu.wait_dma2 semaphore(%run_scoped3A_35 : memref<!tpu.dma_semaphore, #tpu.memory_space<semaphore_mem>>) src(%arg15 : memref<10000xf32, #tpu.memory_space<vmem>>) dst(%dma_wait3A_46 : memref<10000xf32, #tpu.memory_space<hbm>>)
      tpu.yield
    }) : () -> ()
    %run_scoped3A_32 = arith.constant 1 : i32
    "tpu.region"() ({
      %run_scoped3A_35 = tpu.sem_alloc : memref<!tpu.dma_semaphore, #tpu.memory_space<semaphore_mem>>
      %dma_start3A_36 = arith.constant 0 : i32
      %dma_start3A_37 = tpu.memref_slice %arg6[%add3A, %run_scoped3A_32, %dma_start3A_36] : memref<32x4x10000xf32, #tpu.memory_space<hbm>> -> memref<1x1x10000xf32, #tpu.memory_space<hbm>>
      %dma_start3A_38 = tpu.memref_squeeze %dma_start3A_37 : memref<1x1x10000xf32, #tpu.memory_space<hbm>> -> memref<10000xf32, #tpu.memory_space<hbm>>
      %dma_start3A_39 = arith.constant 0 : i32
      %dma_start3A_40 = tpu.memref_slice %arg6[%add3A, %run_scoped3A_32, %dma_start3A_39] : memref<32x4x10000xf32, #tpu.memory_space<hbm>> -> memref<1x1x10000xf32, #tpu.memory_space<hbm>>
      %dma_start3A_41 = tpu.memref_squeeze %dma_start3A_40 : memref<1x1x10000xf32, #tpu.memory_space<hbm>> -> memref<10000xf32, #tpu.memory_space<hbm>>
      tpu.enqueue_dma source(%arg16 : memref<10000xf32, #tpu.memory_space<vmem>>) target(%dma_start3A_41 : memref<10000xf32, #tpu.memory_space<hbm>>) target_semaphore(%run_scoped3A_35 : memref<!tpu.dma_semaphore, #tpu.memory_space<semaphore_mem>>)
      %dma_wait3A = arith.constant 0 : i32
      %dma_wait3A_42 = tpu.memref_slice %arg6[%add3A, %run_scoped3A_32, %dma_wait3A] : memref<32x4x10000xf32, #tpu.memory_space<hbm>> -> memref<1x1x10000xf32, #tpu.memory_space<hbm>>
      %dma_wait3A_43 = tpu.memref_squeeze %dma_wait3A_42 : memref<1x1x10000xf32, #tpu.memory_space<hbm>> -> memref<10000xf32, #tpu.memory_space<hbm>>
      %dma_wait3A_44 = arith.constant 0 : i32
      %dma_wait3A_45 = tpu.memref_slice %arg6[%add3A, %run_scoped3A_32, %dma_wait3A_44] : memref<32x4x10000xf32, #tpu.memory_space<hbm>> -> memref<1x1x10000xf32, #tpu.memory_space<hbm>>
      %dma_wait3A_46 = tpu.memref_squeeze %dma_wait3A_45 : memref<1x1x10000xf32, #tpu.memory_space<hbm>> -> memref<10000xf32, #tpu.memory_space<hbm>>
      tpu.wait_dma2 semaphore(%run_scoped3A_35 : memref<!tpu.dma_semaphore, #tpu.memory_space<semaphore_mem>>) src(%arg16 : memref<10000xf32, #tpu.memory_space<vmem>>) dst(%dma_wait3A_46 : memref<10000xf32, #tpu.memory_space<hbm>>)
      tpu.yield
    }) : () -> ()
    %run_scoped3A_33 = arith.constant 2 : i32
    "tpu.region"() ({
      %run_scoped3A_35 = tpu.sem_alloc : memref<!tpu.dma_semaphore, #tpu.memory_space<semaphore_mem>>
      %dma_start3A_36 = arith.constant 0 : i32
      %dma_start3A_37 = tpu.memref_slice %arg6[%add3A, %run_scoped3A_33, %dma_start3A_36] : memref<32x4x10000xf32, #tpu.memory_space<hbm>> -> memref<1x1x10000xf32, #tpu.memory_space<hbm>>
      %dma_start3A_38 = tpu.memref_squeeze %dma_start3A_37 : memref<1x1x10000xf32, #tpu.memory_space<hbm>> -> memref<10000xf32, #tpu.memory_space<hbm>>
      %dma_start3A_39 = arith.constant 0 : i32
      %dma_start3A_40 = tpu.memref_slice %arg6[%add3A, %run_scoped3A_33, %dma_start3A_39] : memref<32x4x10000xf32, #tpu.memory_space<hbm>> -> memref<1x1x10000xf32, #tpu.memory_space<hbm>>
      %dma_start3A_41 = tpu.memref_squeeze %dma_start3A_40 : memref<1x1x10000xf32, #tpu.memory_space<hbm>> -> memref<10000xf32, #tpu.memory_space<hbm>>
      tpu.enqueue_dma source(%arg17 : memref<10000xf32, #tpu.memory_space<vmem>>) target(%dma_start3A_41 : memref<10000xf32, #tpu.memory_space<hbm>>) target_semaphore(%run_scoped3A_35 : memref<!tpu.dma_semaphore, #tpu.memory_space<semaphore_mem>>)
      %dma_wait3A = arith.constant 0 : i32
      %dma_wait3A_42 = tpu.memref_slice %arg6[%add3A, %run_scoped3A_33, %dma_wait3A] : memref<32x4x10000xf32, #tpu.memory_space<hbm>> -> memref<1x1x10000xf32, #tpu.memory_space<hbm>>
      %dma_wait3A_43 = tpu.memref_squeeze %dma_wait3A_42 : memref<1x1x10000xf32, #tpu.memory_space<hbm>> -> memref<10000xf32, #tpu.memory_space<hbm>>
      %dma_wait3A_44 = arith.constant 0 : i32
      %dma_wait3A_45 = tpu.memref_slice %arg6[%add3A, %run_scoped3A_33, %dma_wait3A_44] : memref<32x4x10000xf32, #tpu.memory_space<hbm>> -> memref<1x1x10000xf32, #tpu.memory_space<hbm>>
      %dma_wait3A_46 = tpu.memref_squeeze %dma_wait3A_45 : memref<1x1x10000xf32, #tpu.memory_space<hbm>> -> memref<10000xf32, #tpu.memory_space<hbm>>
      tpu.wait_dma2 semaphore(%run_scoped3A_35 : memref<!tpu.dma_semaphore, #tpu.memory_space<semaphore_mem>>) src(%arg17 : memref<10000xf32, #tpu.memory_space<vmem>>) dst(%dma_wait3A_46 : memref<10000xf32, #tpu.memory_space<hbm>>)
      tpu.yield
    }) : () -> ()
    %run_scoped3A_34 = arith.constant 3 : i32
    "tpu.region"() ({
      %run_scoped3A_35 = tpu.sem_alloc : memref<!tpu.dma_semaphore, #tpu.memory_space<semaphore_mem>>
      %dma_start3A_36 = arith.constant 0 : i32
      %dma_start3A_37 = tpu.memref_slice %arg6[%add3A, %run_scoped3A_34, %dma_start3A_36] : memref<32x4x10000xf32, #tpu.memory_space<hbm>> -> memref<1x1x10000xf32, #tpu.memory_space<hbm>>
      %dma_start3A_38 = tpu.memref_squeeze %dma_start3A_37 : memref<1x1x10000xf32, #tpu.memory_space<hbm>> -> memref<10000xf32, #tpu.memory_space<hbm>>
      %dma_start3A_39 = arith.constant 0 : i32
      %dma_start3A_40 = tpu.memref_slice %arg6[%add3A, %run_scoped3A_34, %dma_start3A_39] : memref<32x4x10000xf32, #tpu.memory_space<hbm>> -> memref<1x1x10000xf32, #tpu.memory_space<hbm>>
      %dma_start3A_41 = tpu.memref_squeeze %dma_start3A_40 : memref<1x1x10000xf32, #tpu.memory_space<hbm>> -> memref<10000xf32, #tpu.memory_space<hbm>>
      tpu.enqueue_dma source(%arg18 : memref<10000xf32, #tpu.memory_space<vmem>>) target(%dma_start3A_41 : memref<10000xf32, #tpu.memory_space<hbm>>) target_semaphore(%run_scoped3A_35 : memref<!tpu.dma_semaphore, #tpu.memory_space<semaphore_mem>>)
      %dma_wait3A = arith.constant 0 : i32
      %dma_wait3A_42 = tpu.memref_slice %arg6[%add3A, %run_scoped3A_34, %dma_wait3A] : memref<32x4x10000xf32, #tpu.memory_space<hbm>> -> memref<1x1x10000xf32, #tpu.memory_space<hbm>>
      %dma_wait3A_43 = tpu.memref_squeeze %dma_wait3A_42 : memref<1x1x10000xf32, #tpu.memory_space<hbm>> -> memref<10000xf32, #tpu.memory_space<hbm>>
      %dma_wait3A_44 = arith.constant 0 : i32
      %dma_wait3A_45 = tpu.memref_slice %arg6[%add3A, %run_scoped3A_34, %dma_wait3A_44] : memref<32x4x10000xf32, #tpu.memory_space<hbm>> -> memref<1x1x10000xf32, #tpu.memory_space<hbm>>
      %dma_wait3A_46 = tpu.memref_squeeze %dma_wait3A_45 : memref<1x1x10000xf32, #tpu.memory_space<hbm>> -> memref<10000xf32, #tpu.memory_space<hbm>>
      tpu.wait_dma2 semaphore(%run_scoped3A_35 : memref<!tpu.dma_semaphore, #tpu.memory_space<semaphore_mem>>) src(%arg18 : memref<10000xf32, #tpu.memory_space<vmem>>) dst(%dma_wait3A_46 : memref<10000xf32, #tpu.memory_space<hbm>>)
      tpu.yield
    }) : () -> ()
    return
  }
}

module attributes {stable_mosaic.version = 14 : i64} {
  func.func @_stage1_body(%arg0: i32, %arg1: memref<2048x128xf32, #tpu.memory_space<vmem>>, %arg2: memref<128x128xf32, #tpu.memory_space<vmem>>, %arg3: memref<128x1xf32, #tpu.memory_space<vmem>>, %arg4: memref<128x128xf32, #tpu.memory_space<vmem>>, %arg5: memref<1x128xf32, #tpu.memory_space<vmem>>, %arg6: memref<1x128xf32, #tpu.memory_space<vmem>>, %arg7: memref<128x2048xf32, #tpu.memory_space<vmem>>, %arg8: memref<32x2x2048xf32, #tpu.memory_space<vmem>>, %arg9: memref<1x2048xf32, #tpu.memory_space<vmem>>, %arg10: memref<1x2048xf32, #tpu.memory_space<vmem>>) attributes {dimension_semantics = [#tpu.dimension_semantics<arbitrary>], iteration_bounds = array<i64: 5>, scalar_prefetch = 0 : i64, scratch_operands = 0 : i64, tpu.core_type = #tpu.core_type<tc>, window_params = [{transform_indices = @transform_0, window_bounds = array<i64: 2048, 128>}, {pipeline_mode = #tpu.pipeline_mode<synchronous>, transform_indices = @transform_1, window_bounds = array<i64: 128, 128>}, {pipeline_mode = #tpu.pipeline_mode<synchronous>, transform_indices = @transform_2, window_bounds = array<i64: 128, 1>}, {pipeline_mode = #tpu.pipeline_mode<synchronous>, transform_indices = @transform_3, window_bounds = array<i64: 128, 128>}, {pipeline_mode = #tpu.pipeline_mode<synchronous>, transform_indices = @transform_4, window_bounds = array<i64: 1, 128>}, {pipeline_mode = #tpu.pipeline_mode<synchronous>, transform_indices = @transform_5, window_bounds = array<i64: 1, 128>}, {transform_indices = @transform_6, window_bounds = array<i64: 128, 2048>}, {transform_indices = @transform_7, window_bounds = array<i64: 32, 2, 2048>}, {transform_indices = @transform_8, window_bounds = array<i64: 1, 2048>}, {transform_indices = @transform_9, window_bounds = array<i64: 1, 2048>}]} {
    %get3A = arith.constant 0 : index
    %get3A_0 = arith.constant 0 : index
    %get3A_1 = vector.load %arg2[%get3A, %get3A_0] : memref<128x128xf32, #tpu.memory_space<vmem>>, vector<128x128xf32>
    %get3A_2 = arith.constant 0 : index
    %get3A_3 = arith.constant 0 : index
    %get3A_4 = vector.load %arg1[%get3A_2, %get3A_3] : memref<2048x128xf32, #tpu.memory_space<vmem>>, vector<2048x128xf32>
    %dot_general3A = arith.constant dense<0.000000e+00> : vector<128x2048xf32>
    %dot_general3A_5 = tpu.matmul %get3A_1, %get3A_4, %dot_general3A {dimension_numbers = #tpu.dot_dimension_numbers<[1], [1], [0], [0], [0, 0, 1, 0], [], []>, transpose_lhs_hint = false} : vector<128x128xf32>, vector<2048x128xf32>, vector<128x2048xf32> -> vector<128x2048xf32>
    %get3A_6 = arith.constant 0 : index
    %get3A_7 = arith.constant 0 : index
    %get3A_8 = vector.load %arg3[%get3A_6, %get3A_7] : memref<128x1xf32, #tpu.memory_space<vmem>>, vector<128x1xf32>
    %add3A = vector.broadcast %get3A_8 : vector<128x1xf32> to vector<128x2048xf32>
    %add3A_9 = arith.addf %dot_general3A_5, %add3A : vector<128x2048xf32>
    %tanh3A = math.tanh %add3A_9 : vector<128x2048xf32>
    %get3A_10 = arith.constant 0 : index
    %get3A_11 = arith.constant 0 : index
    %get3A_12 = vector.load %arg4[%get3A_10, %get3A_11] : memref<128x128xf32, #tpu.memory_space<vmem>>, vector<128x128xf32>
    %dot_general3A_13 = arith.constant dense<0.000000e+00> : vector<128x2048xf32>
    %dot_general3A_14 = tpu.matmul %get3A_12, %tanh3A, %dot_general3A_13 {dimension_numbers = #tpu.dot_dimension_numbers<[1], [0], [0], [1], [0, 0, 1, 1], [], []>, transpose_lhs_hint = false} : vector<128x128xf32>, vector<128x2048xf32>, vector<128x2048xf32> -> vector<128x2048xf32>
    %swap3A = arith.constant 0 : index
    %swap3A_15 = arith.constant 0 : index
    %swap3A_16 = vector.load %arg7[%swap3A, %swap3A_15] : memref<128x2048xf32, #tpu.memory_space<vmem>>, vector<128x2048xf32>
    tpu.vector_store %arg7[%swap3A, %swap3A_15], %tanh3A {strides = array<i32>} : memref<128x2048xf32, #tpu.memory_space<vmem>>, vector<128x2048xf32>,
    %get3A_17 = arith.constant 0 : index
    %get3A_18 = arith.constant 0 : index
    %get3A_19 = vector.load %arg5[%get3A_17, %get3A_18] : memref<1x128xf32, #tpu.memory_space<vmem>>, vector<1x128xf32>
    %dot_general3A_20 = arith.constant dense<0.000000e+00> : vector<1x2048xf32>
    %dot_general3A_21 = tpu.matmul %get3A_19, %dot_general3A_14, %dot_general3A_20 {dimension_numbers = #tpu.dot_dimension_numbers<[1], [0], [0], [1], [0, 0, 1, 1], [], []>, transpose_lhs_hint = false} : vector<1x128xf32>, vector<128x2048xf32>, vector<1x2048xf32> -> vector<1x2048xf32>
    %swap3A_22 = arith.constant 0 : index
    %swap3A_23 = arith.constant 0 : index
    %swap3A_24 = vector.load %arg9[%swap3A_22, %swap3A_23] : memref<1x2048xf32, #tpu.memory_space<vmem>>, vector<1x2048xf32>
    tpu.vector_store %arg9[%swap3A_22, %swap3A_23], %dot_general3A_21 {strides = array<i32>} : memref<1x2048xf32, #tpu.memory_space<vmem>>, vector<1x2048xf32>,
    %get3A_25 = arith.constant 0 : index
    %get3A_26 = arith.constant 0 : index
    %get3A_27 = vector.load %arg6[%get3A_25, %get3A_26] : memref<1x128xf32, #tpu.memory_space<vmem>>, vector<1x128xf32>
    %dot_general3A_28 = arith.constant dense<0.000000e+00> : vector<1x2048xf32>
    %dot_general3A_29 = tpu.matmul %get3A_27, %dot_general3A_14, %dot_general3A_28 {dimension_numbers = #tpu.dot_dimension_numbers<[1], [0], [0], [1], [0, 0, 1, 1], [], []>, transpose_lhs_hint = false} : vector<1x128xf32>, vector<128x2048xf32>, vector<1x2048xf32> -> vector<1x2048xf32>
    %swap3A_30 = arith.constant 0 : index
    %swap3A_31 = arith.constant 0 : index
    %swap3A_32 = vector.load %arg10[%swap3A_30, %swap3A_31] : memref<1x2048xf32, #tpu.memory_space<vmem>>, vector<1x2048xf32>
    tpu.vector_store %arg10[%swap3A_30, %swap3A_31], %dot_general3A_29 {strides = array<i32>} : memref<1x2048xf32, #tpu.memory_space<vmem>>, vector<1x2048xf32>,
    %convert_element_type3A = arith.truncf %dot_general3A_14 : vector<128x2048xf32> to vector<128x2048xbf16>
    %bitcast_convert_type3A = tpu.bitcast %convert_element_type3A : vector<128x2048xbf16> -> vector<128x2048xi16>
    %convert_element_type3A_33 = arith.extui %bitcast_convert_type3A : vector<128x2048xi16> to vector<128x2048xi32>
    %slice3A = vector.extract_strided_slice %convert_element_type3A_33 {offsets = [0, 0], sizes = [64, 2048], strides = [1, 1]} : vector<128x2048xi32> to vector<64x2048xi32>
    %slice3A_34 = vector.extract_strided_slice %convert_element_type3A_33 {offsets = [64, 0], sizes = [64, 2048], strides = [1, 1]} : vector<128x2048xi32> to vector<64x2048xi32>
    %shift_left3A = arith.constant 16 : i32
    %shift_left3A_35 = vector.broadcast %shift_left3A : i32 to vector<64x2048xi32>
    %shift_left3A_36 = arith.shli %slice3A_34, %shift_left3A_35 : vector<64x2048xi32>
    %or3A = arith.ori %slice3A, %shift_left3A_36 : vector<64x2048xi32>
    %bitcast_convert_type3A_37 = tpu.bitcast %or3A : vector<64x2048xi32> -> vector<64x2048xf32>
    %slice3A_38 = vector.extract_strided_slice %bitcast_convert_type3A_37 {offsets = [0, 0], sizes = [2, 2048], strides = [1, 1]} : vector<64x2048xf32> to vector<2x2048xf32>
    %swap3A_39 = arith.constant 0 : index
    %swap3A_40 = arith.constant 0 : index
    %swap3A_41 = arith.constant 0 : index
    %swap3A_42 = vector.load %arg8[%swap3A_39, %swap3A_40, %swap3A_41] : memref<32x2x2048xf32, #tpu.memory_space<vmem>>, vector<1x2x2048xf32>
    %swap3A_43 = vector.shape_cast %swap3A_42 : vector<1x2x2048xf32> to vector<2x2048xf32>
    %swap3A_44 = vector.shape_cast %slice3A_38 : vector<2x2048xf32> to vector<1x2x2048xf32>
    tpu.vector_store %arg8[%swap3A_39, %swap3A_40, %swap3A_41], %swap3A_44 {strides = array<i32>} : memref<32x2x2048xf32, #tpu.memory_space<vmem>>, vector<1x2x2048xf32>,
    %slice3A_45 = vector.extract_strided_slice %bitcast_convert_type3A_37 {offsets = [2, 0], sizes = [2, 2048], strides = [1, 1]} : vector<64x2048xf32> to vector<2x2048xf32>
    %swap3A_46 = arith.constant 1 : index
    %swap3A_47 = arith.constant 0 : index
    %swap3A_48 = arith.constant 0 : index
    %swap3A_49 = vector.load %arg8[%swap3A_46, %swap3A_47, %swap3A_48] : memref<32x2x2048xf32, #tpu.memory_space<vmem>>, vector<1x2x2048xf32>
    %swap3A_50 = vector.shape_cast %swap3A_49 : vector<1x2x2048xf32> to vector<2x2048xf32>
    %swap3A_51 = vector.shape_cast %slice3A_45 : vector<2x2048xf32> to vector<1x2x2048xf32>
    tpu.vector_store %arg8[%swap3A_46, %swap3A_47, %swap3A_48], %swap3A_51 {strides = array<i32>} : memref<32x2x2048xf32, #tpu.memory_space<vmem>>, vector<1x2x2048xf32>,
    %slice3A_52 = vector.extract_strided_slice %bitcast_convert_type3A_37 {offsets = [4, 0], sizes = [2, 2048], strides = [1, 1]} : vector<64x2048xf32> to vector<2x2048xf32>
    %swap3A_53 = arith.constant 2 : index
    %swap3A_54 = arith.constant 0 : index
    %swap3A_55 = arith.constant 0 : index
    %swap3A_56 = vector.load %arg8[%swap3A_53, %swap3A_54, %swap3A_55] : memref<32x2x2048xf32, #tpu.memory_space<vmem>>, vector<1x2x2048xf32>
    %swap3A_57 = vector.shape_cast %swap3A_56 : vector<1x2x2048xf32> to vector<2x2048xf32>
    %swap3A_58 = vector.shape_cast %slice3A_52 : vector<2x2048xf32> to vector<1x2x2048xf32>
    tpu.vector_store %arg8[%swap3A_53, %swap3A_54, %swap3A_55], %swap3A_58 {strides = array<i32>} : memref<32x2x2048xf32, #tpu.memory_space<vmem>>, vector<1x2x2048xf32>,
    %slice3A_59 = vector.extract_strided_slice %bitcast_convert_type3A_37 {offsets = [6, 0], sizes = [2, 2048], strides = [1, 1]} : vector<64x2048xf32> to vector<2x2048xf32>
    %swap3A_60 = arith.constant 3 : index
    %swap3A_61 = arith.constant 0 : index
    %swap3A_62 = arith.constant 0 : index
    %swap3A_63 = vector.load %arg8[%swap3A_60, %swap3A_61, %swap3A_62] : memref<32x2x2048xf32, #tpu.memory_space<vmem>>, vector<1x2x2048xf32>
    %swap3A_64 = vector.shape_cast %swap3A_63 : vector<1x2x2048xf32> to vector<2x2048xf32>
    %swap3A_65 = vector.shape_cast %slice3A_59 : vector<2x2048xf32> to vector<1x2x2048xf32>
    tpu.vector_store %arg8[%swap3A_60, %swap3A_61, %swap3A_62], %swap3A_65 {strides = array<i32>} : memref<32x2x2048xf32, #tpu.memory_space<vmem>>, vector<1x2x2048xf32>,
    %slice3A_66 = vector.extract_strided_slice %bitcast_convert_type3A_37 {offsets = [8, 0], sizes = [2, 2048], strides = [1, 1]} : vector<64x2048xf32> to vector<2x2048xf32>
    %swap3A_67 = arith.constant 4 : index
    %swap3A_68 = arith.constant 0 : index
    %swap3A_69 = arith.constant 0 : index
    %swap3A_70 = vector.load %arg8[%swap3A_67, %swap3A_68, %swap3A_69] : memref<32x2x2048xf32, #tpu.memory_space<vmem>>, vector<1x2x2048xf32>
    %swap3A_71 = vector.shape_cast %swap3A_70 : vector<1x2x2048xf32> to vector<2x2048xf32>
    %swap3A_72 = vector.shape_cast %slice3A_66 : vector<2x2048xf32> to vector<1x2x2048xf32>
    tpu.vector_store %arg8[%swap3A_67, %swap3A_68, %swap3A_69], %swap3A_72 {strides = array<i32>} : memref<32x2x2048xf32, #tpu.memory_space<vmem>>, vector<1x2x2048xf32>,
    %slice3A_73 = vector.extract_strided_slice %bitcast_convert_type3A_37 {offsets = [10, 0], sizes = [2, 2048], strides = [1, 1]} : vector<64x2048xf32> to vector<2x2048xf32>
    %swap3A_74 = arith.constant 5 : index
    %swap3A_75 = arith.constant 0 : index
    %swap3A_76 = arith.constant 0 : index
    %swap3A_77 = vector.load %arg8[%swap3A_74, %swap3A_75, %swap3A_76] : memref<32x2x2048xf32, #tpu.memory_space<vmem>>, vector<1x2x2048xf32>
    %swap3A_78 = vector.shape_cast %swap3A_77 : vector<1x2x2048xf32> to vector<2x2048xf32>
    %swap3A_79 = vector.shape_cast %slice3A_73 : vector<2x2048xf32> to vector<1x2x2048xf32>
    tpu.vector_store %arg8[%swap3A_74, %swap3A_75, %swap3A_76], %swap3A_79 {strides = array<i32>} : memref<32x2x2048xf32, #tpu.memory_space<vmem>>, vector<1x2x2048xf32>,
    %slice3A_80 = vector.extract_strided_slice %bitcast_convert_type3A_37 {offsets = [12, 0], sizes = [2, 2048], strides = [1, 1]} : vector<64x2048xf32> to vector<2x2048xf32>
    %swap3A_81 = arith.constant 6 : index
    %swap3A_82 = arith.constant 0 : index
    %swap3A_83 = arith.constant 0 : index
    %swap3A_84 = vector.load %arg8[%swap3A_81, %swap3A_82, %swap3A_83] : memref<32x2x2048xf32, #tpu.memory_space<vmem>>, vector<1x2x2048xf32>
    %swap3A_85 = vector.shape_cast %swap3A_84 : vector<1x2x2048xf32> to vector<2x2048xf32>
    %swap3A_86 = vector.shape_cast %slice3A_80 : vector<2x2048xf32> to vector<1x2x2048xf32>
    tpu.vector_store %arg8[%swap3A_81, %swap3A_82, %swap3A_83], %swap3A_86 {strides = array<i32>} : memref<32x2x2048xf32, #tpu.memory_space<vmem>>, vector<1x2x2048xf32>,
    %slice3A_87 = vector.extract_strided_slice %bitcast_convert_type3A_37 {offsets = [14, 0], sizes = [2, 2048], strides = [1, 1]} : vector<64x2048xf32> to vector<2x2048xf32>
    %swap3A_88 = arith.constant 7 : index
    %swap3A_89 = arith.constant 0 : index
    %swap3A_90 = arith.constant 0 : index
    %swap3A_91 = vector.load %arg8[%swap3A_88, %swap3A_89, %swap3A_90] : memref<32x2x2048xf32, #tpu.memory_space<vmem>>, vector<1x2x2048xf32>
    %swap3A_92 = vector.shape_cast %swap3A_91 : vector<1x2x2048xf32> to vector<2x2048xf32>
    %swap3A_93 = vector.shape_cast %slice3A_87 : vector<2x2048xf32> to vector<1x2x2048xf32>
    tpu.vector_store %arg8[%swap3A_88, %swap3A_89, %swap3A_90], %swap3A_93 {strides = array<i32>} : memref<32x2x2048xf32, #tpu.memory_space<vmem>>, vector<1x2x2048xf32>,
    %slice3A_94 = vector.extract_strided_slice %bitcast_convert_type3A_37 {offsets = [16, 0], sizes = [2, 2048], strides = [1, 1]} : vector<64x2048xf32> to vector<2x2048xf32>
    %swap3A_95 = arith.constant 8 : index
    %swap3A_96 = arith.constant 0 : index
    %swap3A_97 = arith.constant 0 : index
    %swap3A_98 = vector.load %arg8[%swap3A_95, %swap3A_96, %swap3A_97] : memref<32x2x2048xf32, #tpu.memory_space<vmem>>, vector<1x2x2048xf32>
    %swap3A_99 = vector.shape_cast %swap3A_98 : vector<1x2x2048xf32> to vector<2x2048xf32>
    %swap3A_100 = vector.shape_cast %slice3A_94 : vector<2x2048xf32> to vector<1x2x2048xf32>
    tpu.vector_store %arg8[%swap3A_95, %swap3A_96, %swap3A_97], %swap3A_100 {strides = array<i32>} : memref<32x2x2048xf32, #tpu.memory_space<vmem>>, vector<1x2x2048xf32>,
    %slice3A_101 = vector.extract_strided_slice %bitcast_convert_type3A_37 {offsets = [18, 0], sizes = [2, 2048], strides = [1, 1]} : vector<64x2048xf32> to vector<2x2048xf32>
    %swap3A_102 = arith.constant 9 : index
    %swap3A_103 = arith.constant 0 : index
    %swap3A_104 = arith.constant 0 : index
    %swap3A_105 = vector.load %arg8[%swap3A_102, %swap3A_103, %swap3A_104] : memref<32x2x2048xf32, #tpu.memory_space<vmem>>, vector<1x2x2048xf32>
    %swap3A_106 = vector.shape_cast %swap3A_105 : vector<1x2x2048xf32> to vector<2x2048xf32>
    %swap3A_107 = vector.shape_cast %slice3A_101 : vector<2x2048xf32> to vector<1x2x2048xf32>
    tpu.vector_store %arg8[%swap3A_102, %swap3A_103, %swap3A_104], %swap3A_107 {strides = array<i32>} : memref<32x2x2048xf32, #tpu.memory_space<vmem>>, vector<1x2x2048xf32>,
    %slice3A_108 = vector.extract_strided_slice %bitcast_convert_type3A_37 {offsets = [20, 0], sizes = [2, 2048], strides = [1, 1]} : vector<64x2048xf32> to vector<2x2048xf32>
    %swap3A_109 = arith.constant 10 : index
    %swap3A_110 = arith.constant 0 : index
    %swap3A_111 = arith.constant 0 : index
    %swap3A_112 = vector.load %arg8[%swap3A_109, %swap3A_110, %swap3A_111] : memref<32x2x2048xf32, #tpu.memory_space<vmem>>, vector<1x2x2048xf32>
    %swap3A_113 = vector.shape_cast %swap3A_112 : vector<1x2x2048xf32> to vector<2x2048xf32>
    %swap3A_114 = vector.shape_cast %slice3A_108 : vector<2x2048xf32> to vector<1x2x2048xf32>
    tpu.vector_store %arg8[%swap3A_109, %swap3A_110, %swap3A_111], %swap3A_114 {strides = array<i32>} : memref<32x2x2048xf32, #tpu.memory_space<vmem>>, vector<1x2x2048xf32>,
    %slice3A_115 = vector.extract_strided_slice %bitcast_convert_type3A_37 {offsets = [22, 0], sizes = [2, 2048], strides = [1, 1]} : vector<64x2048xf32> to vector<2x2048xf32>
    %swap3A_116 = arith.constant 11 : index
    %swap3A_117 = arith.constant 0 : index
    %swap3A_118 = arith.constant 0 : index
    %swap3A_119 = vector.load %arg8[%swap3A_116, %swap3A_117, %swap3A_118] : memref<32x2x2048xf32, #tpu.memory_space<vmem>>, vector<1x2x2048xf32>
    %swap3A_120 = vector.shape_cast %swap3A_119 : vector<1x2x2048xf32> to vector<2x2048xf32>
    %swap3A_121 = vector.shape_cast %slice3A_115 : vector<2x2048xf32> to vector<1x2x2048xf32>
    tpu.vector_store %arg8[%swap3A_116, %swap3A_117, %swap3A_118], %swap3A_121 {strides = array<i32>} : memref<32x2x2048xf32, #tpu.memory_space<vmem>>, vector<1x2x2048xf32>,
    %slice3A_122 = vector.extract_strided_slice %bitcast_convert_type3A_37 {offsets = [24, 0], sizes = [2, 2048], strides = [1, 1]} : vector<64x2048xf32> to vector<2x2048xf32>
    %swap3A_123 = arith.constant 12 : index
    %swap3A_124 = arith.constant 0 : index
    %swap3A_125 = arith.constant 0 : index
    %swap3A_126 = vector.load %arg8[%swap3A_123, %swap3A_124, %swap3A_125] : memref<32x2x2048xf32, #tpu.memory_space<vmem>>, vector<1x2x2048xf32>
    %swap3A_127 = vector.shape_cast %swap3A_126 : vector<1x2x2048xf32> to vector<2x2048xf32>
    %swap3A_128 = vector.shape_cast %slice3A_122 : vector<2x2048xf32> to vector<1x2x2048xf32>
    tpu.vector_store %arg8[%swap3A_123, %swap3A_124, %swap3A_125], %swap3A_128 {strides = array<i32>} : memref<32x2x2048xf32, #tpu.memory_space<vmem>>, vector<1x2x2048xf32>,
    %slice3A_129 = vector.extract_strided_slice %bitcast_convert_type3A_37 {offsets = [26, 0], sizes = [2, 2048], strides = [1, 1]} : vector<64x2048xf32> to vector<2x2048xf32>
    %swap3A_130 = arith.constant 13 : index
    %swap3A_131 = arith.constant 0 : index
    %swap3A_132 = arith.constant 0 : index
    %swap3A_133 = vector.load %arg8[%swap3A_130, %swap3A_131, %swap3A_132] : memref<32x2x2048xf32, #tpu.memory_space<vmem>>, vector<1x2x2048xf32>
    %swap3A_134 = vector.shape_cast %swap3A_133 : vector<1x2x2048xf32> to vector<2x2048xf32>
    %swap3A_135 = vector.shape_cast %slice3A_129 : vector<2x2048xf32> to vector<1x2x2048xf32>
    tpu.vector_store %arg8[%swap3A_130, %swap3A_131, %swap3A_132], %swap3A_135 {strides = array<i32>} : memref<32x2x2048xf32, #tpu.memory_space<vmem>>, vector<1x2x2048xf32>,
    %slice3A_136 = vector.extract_strided_slice %bitcast_convert_type3A_37 {offsets = [28, 0], sizes = [2, 2048], strides = [1, 1]} : vector<64x2048xf32> to vector<2x2048xf32>
    %swap3A_137 = arith.constant 14 : index
    %swap3A_138 = arith.constant 0 : index
    %swap3A_139 = arith.constant 0 : index
    %swap3A_140 = vector.load %arg8[%swap3A_137, %swap3A_138, %swap3A_139] : memref<32x2x2048xf32, #tpu.memory_space<vmem>>, vector<1x2x2048xf32>
    %swap3A_141 = vector.shape_cast %swap3A_140 : vector<1x2x2048xf32> to vector<2x2048xf32>
    %swap3A_142 = vector.shape_cast %slice3A_136 : vector<2x2048xf32> to vector<1x2x2048xf32>
    tpu.vector_store %arg8[%swap3A_137, %swap3A_138, %swap3A_139], %swap3A_142 {strides = array<i32>} : memref<32x2x2048xf32, #tpu.memory_space<vmem>>, vector<1x2x2048xf32>,
    %slice3A_143 = vector.extract_strided_slice %bitcast_convert_type3A_37 {offsets = [30, 0], sizes = [2, 2048], strides = [1, 1]} : vector<64x2048xf32> to vector<2x2048xf32>
    %swap3A_144 = arith.constant 15 : index
    %swap3A_145 = arith.constant 0 : index
    %swap3A_146 = arith.constant 0 : index
    %swap3A_147 = vector.load %arg8[%swap3A_144, %swap3A_145, %swap3A_146] : memref<32x2x2048xf32, #tpu.memory_space<vmem>>, vector<1x2x2048xf32>
    %swap3A_148 = vector.shape_cast %swap3A_147 : vector<1x2x2048xf32> to vector<2x2048xf32>
    %swap3A_149 = vector.shape_cast %slice3A_143 : vector<2x2048xf32> to vector<1x2x2048xf32>
    tpu.vector_store %arg8[%swap3A_144, %swap3A_145, %swap3A_146], %swap3A_149 {strides = array<i32>} : memref<32x2x2048xf32, #tpu.memory_space<vmem>>, vector<1x2x2048xf32>,
    %slice3A_150 = vector.extract_strided_slice %bitcast_convert_type3A_37 {offsets = [32, 0], sizes = [2, 2048], strides = [1, 1]} : vector<64x2048xf32> to vector<2x2048xf32>
    %swap3A_151 = arith.constant 16 : index
    %swap3A_152 = arith.constant 0 : index
    %swap3A_153 = arith.constant 0 : index
    %swap3A_154 = vector.load %arg8[%swap3A_151, %swap3A_152, %swap3A_153] : memref<32x2x2048xf32, #tpu.memory_space<vmem>>, vector<1x2x2048xf32>
    %swap3A_155 = vector.shape_cast %swap3A_154 : vector<1x2x2048xf32> to vector<2x2048xf32>
    %swap3A_156 = vector.shape_cast %slice3A_150 : vector<2x2048xf32> to vector<1x2x2048xf32>
    tpu.vector_store %arg8[%swap3A_151, %swap3A_152, %swap3A_153], %swap3A_156 {strides = array<i32>} : memref<32x2x2048xf32, #tpu.memory_space<vmem>>, vector<1x2x2048xf32>,
    %slice3A_157 = vector.extract_strided_slice %bitcast_convert_type3A_37 {offsets = [34, 0], sizes = [2, 2048], strides = [1, 1]} : vector<64x2048xf32> to vector<2x2048xf32>
    %swap3A_158 = arith.constant 17 : index
    %swap3A_159 = arith.constant 0 : index
    %swap3A_160 = arith.constant 0 : index
    %swap3A_161 = vector.load %arg8[%swap3A_158, %swap3A_159, %swap3A_160] : memref<32x2x2048xf32, #tpu.memory_space<vmem>>, vector<1x2x2048xf32>
    %swap3A_162 = vector.shape_cast %swap3A_161 : vector<1x2x2048xf32> to vector<2x2048xf32>
    %swap3A_163 = vector.shape_cast %slice3A_157 : vector<2x2048xf32> to vector<1x2x2048xf32>
    tpu.vector_store %arg8[%swap3A_158, %swap3A_159, %swap3A_160], %swap3A_163 {strides = array<i32>} : memref<32x2x2048xf32, #tpu.memory_space<vmem>>, vector<1x2x2048xf32>,
    %slice3A_164 = vector.extract_strided_slice %bitcast_convert_type3A_37 {offsets = [36, 0], sizes = [2, 2048], strides = [1, 1]} : vector<64x2048xf32> to vector<2x2048xf32>
    %swap3A_165 = arith.constant 18 : index
    %swap3A_166 = arith.constant 0 : index
    %swap3A_167 = arith.constant 0 : index
    %swap3A_168 = vector.load %arg8[%swap3A_165, %swap3A_166, %swap3A_167] : memref<32x2x2048xf32, #tpu.memory_space<vmem>>, vector<1x2x2048xf32>
    %swap3A_169 = vector.shape_cast %swap3A_168 : vector<1x2x2048xf32> to vector<2x2048xf32>
    %swap3A_170 = vector.shape_cast %slice3A_164 : vector<2x2048xf32> to vector<1x2x2048xf32>
    tpu.vector_store %arg8[%swap3A_165, %swap3A_166, %swap3A_167], %swap3A_170 {strides = array<i32>} : memref<32x2x2048xf32, #tpu.memory_space<vmem>>, vector<1x2x2048xf32>,
    %slice3A_171 = vector.extract_strided_slice %bitcast_convert_type3A_37 {offsets = [38, 0], sizes = [2, 2048], strides = [1, 1]} : vector<64x2048xf32> to vector<2x2048xf32>
    %swap3A_172 = arith.constant 19 : index
    %swap3A_173 = arith.constant 0 : index
    %swap3A_174 = arith.constant 0 : index
    %swap3A_175 = vector.load %arg8[%swap3A_172, %swap3A_173, %swap3A_174] : memref<32x2x2048xf32, #tpu.memory_space<vmem>>, vector<1x2x2048xf32>
    %swap3A_176 = vector.shape_cast %swap3A_175 : vector<1x2x2048xf32> to vector<2x2048xf32>
    %swap3A_177 = vector.shape_cast %slice3A_171 : vector<2x2048xf32> to vector<1x2x2048xf32>
    tpu.vector_store %arg8[%swap3A_172, %swap3A_173, %swap3A_174], %swap3A_177 {strides = array<i32>} : memref<32x2x2048xf32, #tpu.memory_space<vmem>>, vector<1x2x2048xf32>,
    %slice3A_178 = vector.extract_strided_slice %bitcast_convert_type3A_37 {offsets = [40, 0], sizes = [2, 2048], strides = [1, 1]} : vector<64x2048xf32> to vector<2x2048xf32>
    %swap3A_179 = arith.constant 20 : index
    %swap3A_180 = arith.constant 0 : index
    %swap3A_181 = arith.constant 0 : index
    %swap3A_182 = vector.load %arg8[%swap3A_179, %swap3A_180, %swap3A_181] : memref<32x2x2048xf32, #tpu.memory_space<vmem>>, vector<1x2x2048xf32>
    %swap3A_183 = vector.shape_cast %swap3A_182 : vector<1x2x2048xf32> to vector<2x2048xf32>
    %swap3A_184 = vector.shape_cast %slice3A_178 : vector<2x2048xf32> to vector<1x2x2048xf32>
    tpu.vector_store %arg8[%swap3A_179, %swap3A_180, %swap3A_181], %swap3A_184 {strides = array<i32>} : memref<32x2x2048xf32, #tpu.memory_space<vmem>>, vector<1x2x2048xf32>,
    %slice3A_185 = vector.extract_strided_slice %bitcast_convert_type3A_37 {offsets = [42, 0], sizes = [2, 2048], strides = [1, 1]} : vector<64x2048xf32> to vector<2x2048xf32>
    %swap3A_186 = arith.constant 21 : index
    %swap3A_187 = arith.constant 0 : index
    %swap3A_188 = arith.constant 0 : index
    %swap3A_189 = vector.load %arg8[%swap3A_186, %swap3A_187, %swap3A_188] : memref<32x2x2048xf32, #tpu.memory_space<vmem>>, vector<1x2x2048xf32>
    %swap3A_190 = vector.shape_cast %swap3A_189 : vector<1x2x2048xf32> to vector<2x2048xf32>
    %swap3A_191 = vector.shape_cast %slice3A_185 : vector<2x2048xf32> to vector<1x2x2048xf32>
    tpu.vector_store %arg8[%swap3A_186, %swap3A_187, %swap3A_188], %swap3A_191 {strides = array<i32>} : memref<32x2x2048xf32, #tpu.memory_space<vmem>>, vector<1x2x2048xf32>,
    %slice3A_192 = vector.extract_strided_slice %bitcast_convert_type3A_37 {offsets = [44, 0], sizes = [2, 2048], strides = [1, 1]} : vector<64x2048xf32> to vector<2x2048xf32>
    %swap3A_193 = arith.constant 22 : index
    %swap3A_194 = arith.constant 0 : index
    %swap3A_195 = arith.constant 0 : index
    %swap3A_196 = vector.load %arg8[%swap3A_193, %swap3A_194, %swap3A_195] : memref<32x2x2048xf32, #tpu.memory_space<vmem>>, vector<1x2x2048xf32>
    %swap3A_197 = vector.shape_cast %swap3A_196 : vector<1x2x2048xf32> to vector<2x2048xf32>
    %swap3A_198 = vector.shape_cast %slice3A_192 : vector<2x2048xf32> to vector<1x2x2048xf32>
    tpu.vector_store %arg8[%swap3A_193, %swap3A_194, %swap3A_195], %swap3A_198 {strides = array<i32>} : memref<32x2x2048xf32, #tpu.memory_space<vmem>>, vector<1x2x2048xf32>,
    %slice3A_199 = vector.extract_strided_slice %bitcast_convert_type3A_37 {offsets = [46, 0], sizes = [2, 2048], strides = [1, 1]} : vector<64x2048xf32> to vector<2x2048xf32>
    %swap3A_200 = arith.constant 23 : index
    %swap3A_201 = arith.constant 0 : index
    %swap3A_202 = arith.constant 0 : index
    %swap3A_203 = vector.load %arg8[%swap3A_200, %swap3A_201, %swap3A_202] : memref<32x2x2048xf32, #tpu.memory_space<vmem>>, vector<1x2x2048xf32>
    %swap3A_204 = vector.shape_cast %swap3A_203 : vector<1x2x2048xf32> to vector<2x2048xf32>
    %swap3A_205 = vector.shape_cast %slice3A_199 : vector<2x2048xf32> to vector<1x2x2048xf32>
    tpu.vector_store %arg8[%swap3A_200, %swap3A_201, %swap3A_202], %swap3A_205 {strides = array<i32>} : memref<32x2x2048xf32, #tpu.memory_space<vmem>>, vector<1x2x2048xf32>,
    %slice3A_206 = vector.extract_strided_slice %bitcast_convert_type3A_37 {offsets = [48, 0], sizes = [2, 2048], strides = [1, 1]} : vector<64x2048xf32> to vector<2x2048xf32>
    %swap3A_207 = arith.constant 24 : index
    %swap3A_208 = arith.constant 0 : index
    %swap3A_209 = arith.constant 0 : index
    %swap3A_210 = vector.load %arg8[%swap3A_207, %swap3A_208, %swap3A_209] : memref<32x2x2048xf32, #tpu.memory_space<vmem>>, vector<1x2x2048xf32>
    %swap3A_211 = vector.shape_cast %swap3A_210 : vector<1x2x2048xf32> to vector<2x2048xf32>
    %swap3A_212 = vector.shape_cast %slice3A_206 : vector<2x2048xf32> to vector<1x2x2048xf32>
    tpu.vector_store %arg8[%swap3A_207, %swap3A_208, %swap3A_209], %swap3A_212 {strides = array<i32>} : memref<32x2x2048xf32, #tpu.memory_space<vmem>>, vector<1x2x2048xf32>,
    %slice3A_213 = vector.extract_strided_slice %bitcast_convert_type3A_37 {offsets = [50, 0], sizes = [2, 2048], strides = [1, 1]} : vector<64x2048xf32> to vector<2x2048xf32>
    %swap3A_214 = arith.constant 25 : index
    %swap3A_215 = arith.constant 0 : index
    %swap3A_216 = arith.constant 0 : index
    %swap3A_217 = vector.load %arg8[%swap3A_214, %swap3A_215, %swap3A_216] : memref<32x2x2048xf32, #tpu.memory_space<vmem>>, vector<1x2x2048xf32>
    %swap3A_218 = vector.shape_cast %swap3A_217 : vector<1x2x2048xf32> to vector<2x2048xf32>
    %swap3A_219 = vector.shape_cast %slice3A_213 : vector<2x2048xf32> to vector<1x2x2048xf32>
    tpu.vector_store %arg8[%swap3A_214, %swap3A_215, %swap3A_216], %swap3A_219 {strides = array<i32>} : memref<32x2x2048xf32, #tpu.memory_space<vmem>>, vector<1x2x2048xf32>,
    %slice3A_220 = vector.extract_strided_slice %bitcast_convert_type3A_37 {offsets = [52, 0], sizes = [2, 2048], strides = [1, 1]} : vector<64x2048xf32> to vector<2x2048xf32>
    %swap3A_221 = arith.constant 26 : index
    %swap3A_222 = arith.constant 0 : index
    %swap3A_223 = arith.constant 0 : index
    %swap3A_224 = vector.load %arg8[%swap3A_221, %swap3A_222, %swap3A_223] : memref<32x2x2048xf32, #tpu.memory_space<vmem>>, vector<1x2x2048xf32>
    %swap3A_225 = vector.shape_cast %swap3A_224 : vector<1x2x2048xf32> to vector<2x2048xf32>
    %swap3A_226 = vector.shape_cast %slice3A_220 : vector<2x2048xf32> to vector<1x2x2048xf32>
    tpu.vector_store %arg8[%swap3A_221, %swap3A_222, %swap3A_223], %swap3A_226 {strides = array<i32>} : memref<32x2x2048xf32, #tpu.memory_space<vmem>>, vector<1x2x2048xf32>,
    %slice3A_227 = vector.extract_strided_slice %bitcast_convert_type3A_37 {offsets = [54, 0], sizes = [2, 2048], strides = [1, 1]} : vector<64x2048xf32> to vector<2x2048xf32>
    %swap3A_228 = arith.constant 27 : index
    %swap3A_229 = arith.constant 0 : index
    %swap3A_230 = arith.constant 0 : index
    %swap3A_231 = vector.load %arg8[%swap3A_228, %swap3A_229, %swap3A_230] : memref<32x2x2048xf32, #tpu.memory_space<vmem>>, vector<1x2x2048xf32>
    %swap3A_232 = vector.shape_cast %swap3A_231 : vector<1x2x2048xf32> to vector<2x2048xf32>
    %swap3A_233 = vector.shape_cast %slice3A_227 : vector<2x2048xf32> to vector<1x2x2048xf32>
    tpu.vector_store %arg8[%swap3A_228, %swap3A_229, %swap3A_230], %swap3A_233 {strides = array<i32>} : memref<32x2x2048xf32, #tpu.memory_space<vmem>>, vector<1x2x2048xf32>,
    %slice3A_234 = vector.extract_strided_slice %bitcast_convert_type3A_37 {offsets = [56, 0], sizes = [2, 2048], strides = [1, 1]} : vector<64x2048xf32> to vector<2x2048xf32>
    %swap3A_235 = arith.constant 28 : index
    %swap3A_236 = arith.constant 0 : index
    %swap3A_237 = arith.constant 0 : index
    %swap3A_238 = vector.load %arg8[%swap3A_235, %swap3A_236, %swap3A_237] : memref<32x2x2048xf32, #tpu.memory_space<vmem>>, vector<1x2x2048xf32>
    %swap3A_239 = vector.shape_cast %swap3A_238 : vector<1x2x2048xf32> to vector<2x2048xf32>
    %swap3A_240 = vector.shape_cast %slice3A_234 : vector<2x2048xf32> to vector<1x2x2048xf32>
    tpu.vector_store %arg8[%swap3A_235, %swap3A_236, %swap3A_237], %swap3A_240 {strides = array<i32>} : memref<32x2x2048xf32, #tpu.memory_space<vmem>>, vector<1x2x2048xf32>,
    %slice3A_241 = vector.extract_strided_slice %bitcast_convert_type3A_37 {offsets = [58, 0], sizes = [2, 2048], strides = [1, 1]} : vector<64x2048xf32> to vector<2x2048xf32>
    %swap3A_242 = arith.constant 29 : index
    %swap3A_243 = arith.constant 0 : index
    %swap3A_244 = arith.constant 0 : index
    %swap3A_245 = vector.load %arg8[%swap3A_242, %swap3A_243, %swap3A_244] : memref<32x2x2048xf32, #tpu.memory_space<vmem>>, vector<1x2x2048xf32>
    %swap3A_246 = vector.shape_cast %swap3A_245 : vector<1x2x2048xf32> to vector<2x2048xf32>
    %swap3A_247 = vector.shape_cast %slice3A_241 : vector<2x2048xf32> to vector<1x2x2048xf32>
    tpu.vector_store %arg8[%swap3A_242, %swap3A_243, %swap3A_244], %swap3A_247 {strides = array<i32>} : memref<32x2x2048xf32, #tpu.memory_space<vmem>>, vector<1x2x2048xf32>,
    %slice3A_248 = vector.extract_strided_slice %bitcast_convert_type3A_37 {offsets = [60, 0], sizes = [2, 2048], strides = [1, 1]} : vector<64x2048xf32> to vector<2x2048xf32>
    %swap3A_249 = arith.constant 30 : index
    %swap3A_250 = arith.constant 0 : index
    %swap3A_251 = arith.constant 0 : index
    %swap3A_252 = vector.load %arg8[%swap3A_249, %swap3A_250, %swap3A_251] : memref<32x2x2048xf32, #tpu.memory_space<vmem>>, vector<1x2x2048xf32>
    %swap3A_253 = vector.shape_cast %swap3A_252 : vector<1x2x2048xf32> to vector<2x2048xf32>
    %swap3A_254 = vector.shape_cast %slice3A_248 : vector<2x2048xf32> to vector<1x2x2048xf32>
    tpu.vector_store %arg8[%swap3A_249, %swap3A_250, %swap3A_251], %swap3A_254 {strides = array<i32>} : memref<32x2x2048xf32, #tpu.memory_space<vmem>>, vector<1x2x2048xf32>,
    %slice3A_255 = vector.extract_strided_slice %bitcast_convert_type3A_37 {offsets = [62, 0], sizes = [2, 2048], strides = [1, 1]} : vector<64x2048xf32> to vector<2x2048xf32>
    %swap3A_256 = arith.constant 31 : index
    %swap3A_257 = arith.constant 0 : index
    %swap3A_258 = arith.constant 0 : index
    %swap3A_259 = vector.load %arg8[%swap3A_256, %swap3A_257, %swap3A_258] : memref<32x2x2048xf32, #tpu.memory_space<vmem>>, vector<1x2x2048xf32>
    %swap3A_260 = vector.shape_cast %swap3A_259 : vector<1x2x2048xf32> to vector<2x2048xf32>
    %swap3A_261 = vector.shape_cast %slice3A_255 : vector<2x2048xf32> to vector<1x2x2048xf32>
    tpu.vector_store %arg8[%swap3A_256, %swap3A_257, %swap3A_258], %swap3A_261 {strides = array<i32>} : memref<32x2x2048xf32, #tpu.memory_space<vmem>>, vector<1x2x2048xf32>,
    return
  }
  func.func @transform_0(%arg0: i32) -> (i32, i32) {
    %c0_i32 = arith.constant 0 : i32
    %c0_i32_0 = arith.constant 0 : i32
    return %arg0, %c0_i32 : i32, i32
  }
  func.func @transform_1(%arg0: i32) -> (i32, i32) {
    %c0_i32 = arith.constant 0 : i32
    %c0_i32_0 = arith.constant 0 : i32
    %c0_i32_1 = arith.constant 0 : i32
    return %c0_i32, %c0_i32_0 : i32, i32
  }
  func.func @transform_2(%arg0: i32) -> (i32, i32) {
    %c0_i32 = arith.constant 0 : i32
    %c0_i32_0 = arith.constant 0 : i32
    %c0_i32_1 = arith.constant 0 : i32
    return %c0_i32, %c0_i32_0 : i32, i32
  }
  func.func @transform_3(%arg0: i32) -> (i32, i32) {
    %c0_i32 = arith.constant 0 : i32
    %c0_i32_0 = arith.constant 0 : i32
    %c0_i32_1 = arith.constant 0 : i32
    return %c0_i32, %c0_i32_0 : i32, i32
  }
  func.func @transform_4(%arg0: i32) -> (i32, i32) {
    %c0_i32 = arith.constant 0 : i32
    %c0_i32_0 = arith.constant 0 : i32
    %c0_i32_1 = arith.constant 0 : i32
    return %c0_i32, %c0_i32_0 : i32, i32
  }
  func.func @transform_5(%arg0: i32) -> (i32, i32) {
    %c0_i32 = arith.constant 0 : i32
    %c0_i32_0 = arith.constant 0 : i32
    %c0_i32_1 = arith.constant 0 : i32
    return %c0_i32, %c0_i32_0 : i32, i32
  }
  func.func @transform_6(%arg0: i32) -> (i32, i32) {
    %c0_i32 = arith.constant 0 : i32
    %c0_i32_0 = arith.constant 0 : i32
    return %c0_i32, %arg0 : i32, i32
  }
  func.func @transform_7(%arg0: i32) -> (i32, i32, i32) {
    %c0_i32 = arith.constant 0 : i32
    %c0_i32_0 = arith.constant 0 : i32
    %c0_i32_1 = arith.constant 0 : i32
    return %c0_i32, %c0_i32_0, %arg0 : i32, i32, i32
  }
  func.func @transform_8(%arg0: i32) -> (i32, i32) {
    %c0_i32 = arith.constant 0 : i32
    %c0_i32_0 = arith.constant 0 : i32
    return %c0_i32, %arg0 : i32, i32
  }
  func.func @transform_9(%arg0: i32) -> (i32, i32) {
    %c0_i32 = arith.constant 0 : i32
    %c0_i32_0 = arith.constant 0 : i32
    return %c0_i32, %arg0 : i32, i32
  }
}

module attributes {stable_mosaic.version = 14 : i64} {
  func.func @_stage3_body(%arg0: i32, %arg1: memref<128x2048xf32, #tpu.memory_space<vmem>>, %arg2: memref<32x4x2048xf32, #tpu.memory_space<vmem>>, %arg3: memref<32x1x2048xf32, #tpu.memory_space<vmem>>, %arg4: memref<32x4x1xf32, #tpu.memory_space<vmem>>, %arg5: memref<128x128xf32, #tpu.memory_space<vmem>>, %arg6: memref<128x128xf32, #tpu.memory_space<vmem>>, %arg7: memref<128x1xf32, #tpu.memory_space<vmem>>, %arg8: memref<32x128xf32, #tpu.memory_space<vmem>>, %arg9: memref<1x32xf32, #tpu.memory_space<vmem>>, %arg10: memref<1x128xf32, #tpu.memory_space<vmem>>, %arg11: memref<1x1xf32, #tpu.memory_space<vmem>>, %arg12: memref<2048x32xf32, #tpu.memory_space<vmem>>, %arg13: memref<2048x1xf32, #tpu.memory_space<vmem>>) attributes {dimension_semantics = [#tpu.dimension_semantics<arbitrary>], iteration_bounds = array<i64: 5>, scalar_prefetch = 0 : i64, scratch_operands = 0 : i64, tpu.core_type = #tpu.core_type<tc>, window_params = [{transform_indices = @transform_0, window_bounds = array<i64: 128, 2048>}, {transform_indices = @transform_1, window_bounds = array<i64: 32, 4, 2048>}, {transform_indices = @transform_2, window_bounds = array<i64: 32, 1, 2048>}, {pipeline_mode = #tpu.pipeline_mode<synchronous>, transform_indices = @transform_3, window_bounds = array<i64: 32, 4, 1>}, {pipeline_mode = #tpu.pipeline_mode<synchronous>, transform_indices = @transform_4, window_bounds = array<i64: 128, 128>}, {pipeline_mode = #tpu.pipeline_mode<synchronous>, transform_indices = @transform_5, window_bounds = array<i64: 128, 128>}, {pipeline_mode = #tpu.pipeline_mode<synchronous>, transform_indices = @transform_6, window_bounds = array<i64: 128, 1>}, {pipeline_mode = #tpu.pipeline_mode<synchronous>, transform_indices = @transform_7, window_bounds = array<i64: 32, 128>}, {pipeline_mode = #tpu.pipeline_mode<synchronous>, transform_indices = @transform_8, window_bounds = array<i64: 1, 32>}, {pipeline_mode = #tpu.pipeline_mode<synchronous>, transform_indices = @transform_9, window_bounds = array<i64: 1, 128>}, {pipeline_mode = #tpu.pipeline_mode<synchronous>, transform_indices = @transform_10, window_bounds = array<i64: 1, 1>}, {transform_indices = @transform_11, window_bounds = array<i64: 2048, 32>}, {transform_indices = @transform_12, window_bounds = array<i64: 2048, 1>}]} {
    %get3A = arith.constant 0 : index
    %get3A_0 = arith.constant 0 : index
    %get3A_1 = arith.constant 0 : index
    %get3A_2 = vector.load %arg3[%get3A, %get3A_0, %get3A_1] : memref<32x1x2048xf32, #tpu.memory_space<vmem>>, vector<32x1x2048xf32>
    %get3A_3 = vector.shape_cast %get3A_2 : vector<32x1x2048xf32> to vector<32x2048xf32>
    %reduce_sum3A = arith.constant dense<0.000000e+00> : vector<2048xf32>
    %reduce_sum3A_4 = vector.multi_reduction <add>, %get3A_3, %reduce_sum3A [0] : vector<32x2048xf32> to vector<2048xf32>
    %broadcast_in_dim3A = vector.shape_cast %reduce_sum3A_4 : vector<2048xf32> to vector<1x1x2048xf32>
    %get3A_5 = arith.constant 0 : index
    %get3A_6 = arith.constant 0 : index
    %get3A_7 = arith.constant 0 : index
    %get3A_8 = vector.load %arg2[%get3A_5, %get3A_6, %get3A_7] : memref<32x4x2048xf32, #tpu.memory_space<vmem>>, vector<32x4x2048xf32>
    %add3A = arith.constant 1.000000e-16 : f32
    %add3A_9 = vector.broadcast %add3A : f32 to vector<1x1x2048xf32>
    %add3A_10 = arith.addf %broadcast_in_dim3A, %add3A_9 : vector<1x1x2048xf32>
    %div3A = vector.broadcast %add3A_10 : vector<1x1x2048xf32> to vector<32x4x2048xf32>
    %div3A_11 = arith.divf %get3A_8, %div3A : vector<32x4x2048xf32>
    %get3A_12 = arith.constant 0 : index
    %get3A_13 = arith.constant 0 : index
    %get3A_14 = arith.constant 0 : index
    %get3A_15 = vector.load %arg4[%get3A_12, %get3A_13, %get3A_14] : memref<32x4x1xf32, #tpu.memory_space<vmem>>, vector<32x4x1xf32>
    %add3A_16 = vector.broadcast %get3A_15 : vector<32x4x1xf32> to vector<32x4x2048xf32>
    %add3A_17 = arith.addf %div3A_11, %add3A_16 : vector<32x4x2048xf32>
    %tanh3A = math.tanh %add3A_17 : vector<32x4x2048xf32>
    %reshape3A = vector.shape_cast %tanh3A : vector<32x4x2048xf32> to vector<128x2048xf32>
    %get3A_18 = arith.constant 0 : index
    %get3A_19 = arith.constant 0 : index
    %get3A_20 = vector.load %arg6[%get3A_18, %get3A_19] : memref<128x128xf32, #tpu.memory_space<vmem>>, vector<128x128xf32>
    %dot_general3A = arith.constant dense<0.000000e+00> : vector<128x2048xf32>
    %dot_general3A_21 = tpu.matmul %get3A_20, %reshape3A, %dot_general3A {dimension_numbers = #tpu.dot_dimension_numbers<[1], [0], [0], [1], [0, 0, 1, 1], [], []>, transpose_lhs_hint = false} : vector<128x128xf32>, vector<128x2048xf32>, vector<128x2048xf32> -> vector<128x2048xf32>
    %get3A_22 = arith.constant 0 : index
    %get3A_23 = arith.constant 0 : index
    %get3A_24 = vector.load %arg5[%get3A_22, %get3A_23] : memref<128x128xf32, #tpu.memory_space<vmem>>, vector<128x128xf32>
    %get3A_25 = arith.constant 0 : index
    %get3A_26 = arith.constant 0 : index
    %get3A_27 = vector.load %arg1[%get3A_25, %get3A_26] : memref<128x2048xf32, #tpu.memory_space<vmem>>, vector<128x2048xf32>
    %dot_general3A_28 = arith.constant dense<0.000000e+00> : vector<128x2048xf32>
    %dot_general3A_29 = tpu.matmul %get3A_24, %get3A_27, %dot_general3A_28 {dimension_numbers = #tpu.dot_dimension_numbers<[1], [0], [0], [1], [0, 0, 1, 1], [], []>, transpose_lhs_hint = false} : vector<128x128xf32>, vector<128x2048xf32>, vector<128x2048xf32> -> vector<128x2048xf32>
    %add3A_30 = arith.addf %dot_general3A_29, %dot_general3A_21 : vector<128x2048xf32>
    %get3A_31 = arith.constant 0 : index
    %get3A_32 = arith.constant 0 : index
    %get3A_33 = vector.load %arg7[%get3A_31, %get3A_32] : memref<128x1xf32, #tpu.memory_space<vmem>>, vector<128x1xf32>
    %add3A_34 = vector.broadcast %get3A_33 : vector<128x1xf32> to vector<128x2048xf32>
    %add3A_35 = arith.addf %add3A_30, %add3A_34 : vector<128x2048xf32>
    %tanh3A_36 = math.tanh %add3A_35 : vector<128x2048xf32>
    %get3A_37 = arith.constant 0 : index
    %get3A_38 = arith.constant 0 : index
    %get3A_39 = vector.load %arg8[%get3A_37, %get3A_38] : memref<32x128xf32, #tpu.memory_space<vmem>>, vector<32x128xf32>
    %dot_general3A_40 = arith.constant dense<0.000000e+00> : vector<2048x32xf32>
    %dot_general3A_41 = tpu.matmul %tanh3A_36, %get3A_39, %dot_general3A_40 {dimension_numbers = #tpu.dot_dimension_numbers<[0], [1], [1], [0], [0, 1, 1, 0], [], []>, transpose_lhs_hint = false} : vector<128x2048xf32>, vector<32x128xf32>, vector<2048x32xf32> -> vector<2048x32xf32>
    %get3A_42 = arith.constant 0 : index
    %get3A_43 = arith.constant 0 : index
    %get3A_44 = vector.load %arg9[%get3A_42, %get3A_43] : memref<1x32xf32, #tpu.memory_space<vmem>>, vector<1x32xf32>
    %add3A_45 = vector.broadcast %get3A_44 : vector<1x32xf32> to vector<2048x32xf32>
    %add3A_46 = arith.addf %dot_general3A_41, %add3A_45 : vector<2048x32xf32>
    %reduce_max3A = arith.constant dense<0xFF800000> : vector<2048xf32>
    %reduce_max3A_47 = vector.multi_reduction <maximumf>, %add3A_46, %reduce_max3A [1] : vector<2048x32xf32> to vector<2048xf32>
    %broadcast_in_dim3A_48 = vector.shape_cast %reduce_max3A_47 : vector<2048xf32> to vector<2048x1xf32>
    %sub3A = vector.broadcast %broadcast_in_dim3A_48 : vector<2048x1xf32> to vector<2048x32xf32>
    %sub3A_49 = arith.subf %add3A_46, %sub3A : vector<2048x32xf32>
    %exp3A = math.exp %sub3A_49 : vector<2048x32xf32>
    %reduce_sum3A_50 = arith.constant dense<0.000000e+00> : vector<2048xf32>
    %reduce_sum3A_51 = vector.multi_reduction <add>, %exp3A, %reduce_sum3A_50 [1] : vector<2048x32xf32> to vector<2048xf32>
    %broadcast_in_dim3A_52 = vector.shape_cast %reduce_sum3A_51 : vector<2048xf32> to vector<2048x1xf32>
    %log3A = math.log %broadcast_in_dim3A_52 : vector<2048x1xf32>
    %sub3A_53 = vector.broadcast %broadcast_in_dim3A_48 : vector<2048x1xf32> to vector<2048x32xf32>
    %sub3A_54 = arith.subf %add3A_46, %sub3A_53 : vector<2048x32xf32>
    %sub3A_55 = vector.broadcast %log3A : vector<2048x1xf32> to vector<2048x32xf32>
    %sub3A_56 = arith.subf %sub3A_54, %sub3A_55 : vector<2048x32xf32>
    %swap3A = arith.constant 0 : index
    %swap3A_57 = arith.constant 0 : index
    %swap3A_58 = vector.load %arg12[%swap3A, %swap3A_57] : memref<2048x32xf32, #tpu.memory_space<vmem>>, vector<2048x32xf32>
    tpu.vector_store %arg12[%swap3A, %swap3A_57], %sub3A_56 {strides = array<i32>} : memref<2048x32xf32, #tpu.memory_space<vmem>>, vector<2048x32xf32>,
    %get3A_59 = arith.constant 0 : index
    %get3A_60 = arith.constant 0 : index
    %get3A_61 = vector.load %arg10[%get3A_59, %get3A_60] : memref<1x128xf32, #tpu.memory_space<vmem>>, vector<1x128xf32>
    %dot_general3A_62 = arith.constant dense<0.000000e+00> : vector<2048x1xf32>
    %dot_general3A_63 = tpu.matmul %tanh3A_36, %get3A_61, %dot_general3A_62 {dimension_numbers = #tpu.dot_dimension_numbers<[0], [1], [1], [0], [0, 1, 1, 0], [], []>, transpose_lhs_hint = false} : vector<128x2048xf32>, vector<1x128xf32>, vector<2048x1xf32> -> vector<2048x1xf32>
    %get3A_64 = arith.constant 0 : index
    %get3A_65 = arith.constant 0 : index
    %get3A_66 = vector.load %arg11[%get3A_64, %get3A_65] : memref<1x1xf32, #tpu.memory_space<vmem>>, vector<1x1xf32>
    %add3A_67 = vector.broadcast %get3A_66 : vector<1x1xf32> to vector<2048x1xf32>
    %add3A_68 = arith.addf %dot_general3A_63, %add3A_67 : vector<2048x1xf32>
    %swap3A_69 = arith.constant 0 : index
    %swap3A_70 = arith.constant 0 : index
    %swap3A_71 = vector.load %arg13[%swap3A_69, %swap3A_70] : memref<2048x1xf32, #tpu.memory_space<vmem>>, vector<2048x1xf32>
    tpu.vector_store %arg13[%swap3A_69, %swap3A_70], %add3A_68 {strides = array<i32>} : memref<2048x1xf32, #tpu.memory_space<vmem>>, vector<2048x1xf32>,
    return
  }
  func.func @transform_0(%arg0: i32) -> (i32, i32) {
    %c0_i32 = arith.constant 0 : i32
    %c0_i32_0 = arith.constant 0 : i32
    return %c0_i32, %arg0 : i32, i32
  }
  func.func @transform_1(%arg0: i32) -> (i32, i32, i32) {
    %c0_i32 = arith.constant 0 : i32
    %c0_i32_0 = arith.constant 0 : i32
    %c0_i32_1 = arith.constant 0 : i32
    return %c0_i32, %c0_i32_0, %arg0 : i32, i32, i32
  }
  func.func @transform_2(%arg0: i32) -> (i32, i32, i32) {
    %c0_i32 = arith.constant 0 : i32
    %c0_i32_0 = arith.constant 0 : i32
    %c0_i32_1 = arith.constant 0 : i32
    return %c0_i32, %c0_i32_0, %arg0 : i32, i32, i32
  }
  func.func @transform_3(%arg0: i32) -> (i32, i32, i32) {
    %c0_i32 = arith.constant 0 : i32
    %c0_i32_0 = arith.constant 0 : i32
    %c0_i32_1 = arith.constant 0 : i32
    %c0_i32_2 = arith.constant 0 : i32
    return %c0_i32, %c0_i32_0, %c0_i32_1 : i32, i32, i32
  }
  func.func @transform_4(%arg0: i32) -> (i32, i32) {
    %c0_i32 = arith.constant 0 : i32
    %c0_i32_0 = arith.constant 0 : i32
    %c0_i32_1 = arith.constant 0 : i32
    return %c0_i32, %c0_i32_0 : i32, i32
  }
  func.func @transform_5(%arg0: i32) -> (i32, i32) {
    %c0_i32 = arith.constant 0 : i32
    %c0_i32_0 = arith.constant 0 : i32
    %c0_i32_1 = arith.constant 0 : i32
    return %c0_i32, %c0_i32_0 : i32, i32
  }
  func.func @transform_6(%arg0: i32) -> (i32, i32) {
    %c0_i32 = arith.constant 0 : i32
    %c0_i32_0 = arith.constant 0 : i32
    %c0_i32_1 = arith.constant 0 : i32
    return %c0_i32, %c0_i32_0 : i32, i32
  }
  func.func @transform_7(%arg0: i32) -> (i32, i32) {
    %c0_i32 = arith.constant 0 : i32
    %c0_i32_0 = arith.constant 0 : i32
    %c0_i32_1 = arith.constant 0 : i32
    return %c0_i32, %c0_i32_0 : i32, i32
  }
  func.func @transform_8(%arg0: i32) -> (i32, i32) {
    %c0_i32 = arith.constant 0 : i32
    %c0_i32_0 = arith.constant 0 : i32
    %c0_i32_1 = arith.constant 0 : i32
    return %c0_i32, %c0_i32_0 : i32, i32
  }
  func.func @transform_9(%arg0: i32) -> (i32, i32) {
    %c0_i32 = arith.constant 0 : i32
    %c0_i32_0 = arith.constant 0 : i32
    %c0_i32_1 = arith.constant 0 : i32
    return %c0_i32, %c0_i32_0 : i32, i32
  }
  func.func @transform_10(%arg0: i32) -> (i32, i32) {
    %c0_i32 = arith.constant 0 : i32
    %c0_i32_0 = arith.constant 0 : i32
    %c0_i32_1 = arith.constant 0 : i32
    return %c0_i32, %c0_i32_0 : i32, i32
  }
  func.func @transform_11(%arg0: i32) -> (i32, i32) {
    %c0_i32 = arith.constant 0 : i32
    %c0_i32_0 = arith.constant 0 : i32
    return %arg0, %c0_i32 : i32, i32
  }
  func.func @transform_12(%arg0: i32) -> (i32, i32) {
    %c0_i32 = arith.constant 0 : i32
    %c0_i32_0 = arith.constant 0 : i32
    return %arg0, %c0_i32 : i32, i32
  }
}

</mosaic_0001>

<sc_bundles>
// kernel: kernel.6.cloned.1.call-start
scs
__scs_entry_jumppad:
0x0: {  	(pc) =	sbr.rel $0x88, $3  }
0x1: {  	(tag) =	ssettag $0x0;
	lr =	simm.s32 $0x1  }
0x2: {  	[smem:$0x3F93] =	sst lr;
	_ =	strace $0xD0000000  }
0x3: {  	_ = 	snop  }
0x4: {  	_ = 	snop  }
0x5: {  	_ = 	snop  }
0x6: {  	_ = 	snop  }
0x7: {  	_ = 	snop  }
__scs_overlays_trampoline_lowered:
0x8: {  	[smem:$0x3FA2] =	sst s0  }
0x9: {  	[smem:$0x3FA3] =	sst s1  }
0xa: {  	[smem:$0x3FA4] =	sst s2  }
0xb: {  	[smem:$0x3FA5] =	sst s3  }
0xc: {  	[smem:$0x3FA6] =	sst s4  }
0xd: {  	[smem:$0x3FA7] =	sst s5  }
0xe: {  	[smem:$0x3FA8] =	sst s6  }
0xf: {  	[smem:$0x3FA9] =	sst s7  }
0x10: {  	[smem:$0x3FAA] =	sst s8  }
0x11: {  	[smem:$0x3FAB] =	sst s9;
	s0 =	simm.s32 @!p0 $0x0  }
0x12: {  	s1 =	sld [smem:$0x3F91];
	s0 =	simm.s32 @p0 $0x1  }
0x13: {  	[smem:$0x3FAC] =	sst s0;
	s0 =	simm.s32 @!p1 $0x0  }
0x14: {  	s2 =	sld [smem:$0x3F90];
	s0 =	simm.s32 @p1 $0x1  }
0x15: {  	[smem:$0x3FAD] =	sst s0;
	s0 =	simm.s32 @!p2 $0x0  }
0x16: {  	s3 =	sld [smem:$0x3FDB];
	s0 =	simm.s32 @p2 $0x1  }
0x17: {  	s4 =	simm.s32 $0x1BF5;
	[smem:$0x3FAF] =	sst s0  }
0x18: {  	s0 =	sld [smem:$0x3F92];
	_ =	swait.ge [sflag:s4], $0x0  }
0x19: {  	s7 =	sld [smem:$0x3F93]  }
0x1a: {  	s8 =	sadd.s32 $0xFFFFE003, lr  }
0x1b: {  	s9 =	sadd.s32 $0xFFFFFEF7, lr;
	s5 =	simm.s32 $0xFFFFFFFF;
	p2 =	slt.u32 s8, $0xFFFFF086  }
0x1c: {  	p1 =	slt.u32 s9, $0xF7A;
	s5 =	simm.s32 @!p2 $0x0  }
0x1d: {  	s5 =	simm.s32 @p1 $0x1;
	p0 =	seq.s32 s7, s2  }
0x1e: {  	s7 =	smul.u32 @!p0 $0xF7A, s2;
	p2 =	seq.s32 @!p0 s5, $0x0  }
0x1f: {  	s9 =	smul.u32 $0xF7A, s1;
	s8 =	simm.s32 @!p0 $0x1BF5;
	p2 =	por !p2, p0  }
0x20: {  	[sflag:s8] =	ssyncset.s32 @!p0 $0xFFFFF086;
	s6 =	sadd.s32 @!p0 s3, s7;
	s7 =	simm.s32 @!p0 $0x108  }
0x21: {  	s3 =	sadd.s32 s3, s9;
	s6 =	sadd.s32 @!p0 $0x88, s6;
	s7 =	simm.s32 @p2 $0x1082  }
0x22: {  	[simem:s7], [sflag:s8] =	dma.local @!p0 [hbm:s6], $0xF7A  }
0x23: {  	s9 =	sor.u32 $0xD0000000, s2;
	s6 =	simm.s32 $0x108;
	_ =	swait.ge @!p0 [sflag:s8], $0x0  }
0x24: {  	s3 =	sadd.s32 $0x88, s3;
	s6 =	simm.s32 @!p1 $0x1082;
	[sflag:s4] =	ssyncset.s32 $0xFFFFF086  }
0x25: {  	[simem:s6], [sflag:s4] =	dma.local [hbm:s3], $0xF7A  }
0x26: {  	[smem:$0x3F93] =	sst s1;
	(tag) =	ssettag s2;
	_ =	strace s9  }
0x27: {  	s1 =	sld [smem:$0x3FA3]  }
0x28: {  	s2 =	sld [smem:$0x3FA4]  }
0x29: {  	s4 =	sld [smem:$0x3FA6]  }
0x2a: {  	p0 =	seq.s32 s5, $0x0;
	s5 =	sld [smem:$0x3FA7]  }
0x2b: {  	s6 =	sld [smem:$0x3FA8]  }
0x2c: {  	s7 =	sld [smem:$0x3FA9]  }
0x2d: {  	s3 =	simm.s32 $0x108;
	s8 =	sld [smem:$0x3FAA]  }
0x2e: {  	s3 =	simm.s32 @!p0 $0x1082;
	s9 =	sld [smem:$0x3FAB]  }
0x2f: {  	lr =	sadd.s32 s0, s3;
	s0 =	sld [smem:$0x3FA2]  }
0x30: {  	s3 =	sld [smem:$0x3FA5]  }
0x31: {  	[smem:$0x3FAE] =	sst s10  }
0x32: {  	s10 =	sld [smem:$0x3FAC];
	_ =	sdelay $0x3  }
0x33: {  	p0 =	seq.s32 s10, $0x1;
	s10 =	sld [smem:$0x3FAE];
	_ =	sdelay $0x3  }
0x34: {  	[smem:$0x3FAE] =	sst s10  }
0x35: {  	s10 =	sld [smem:$0x3FAD];
	_ =	sdelay $0x3  }
0x36: {  	p1 =	seq.s32 s10, $0x1;
	s10 =	sld [smem:$0x3FAE];
	_ =	sdelay $0x3  }
0x37: {  	[smem:$0x3FAE] =	sst s10  }
0x38: {  	s10 =	sld [smem:$0x3FAF]  }
0x39: {  	_ = 	snop;
	(pc) =	sbr.ind lr, $3  }
0x3a: {  	_ = 	snop  }
0x3b: {  	_ = 	snop  }
0x3c: {  	p2 =	seq.s32 s10, $0x1;
	s10 =	sld [smem:$0x3FAE]  }
0x3d: {  	_ =	shalt  }
0x3e: {  	_ =	shalt  }
0x3f: {  	_ =	shalt  }
0x40: {  	_ =	shalt  }
0x41: {  	_ =	shalt  }
0x42: {  	_ =	shalt  }
0x43: {  	_ =	shalt  }
0x44: {  	_ =	shalt  }
0x45: {  	_ =	shalt  }
0x46: {  	_ =	shalt  }
0x47: {  	_ =	shalt  }
0x48: {  	_ =	shalt  }
0x49: {  	_ =	shalt  }
0x4a: {  	_ =	shalt  }
0x4b: {  	_ =	shalt  }
0x4c: {  	_ =	shalt  }
0x4d: {  	_ =	shalt  }
0x4e: {  	_ =	shalt  }
0x4f: {  	_ =	shalt  }
0x50: {  	_ =	shalt  }
0x51: {  	_ =	shalt  }
0x52: {  	_ =	shalt  }
0x53: {  	_ =	shalt  }
0x54: {  	_ =	shalt  }
0x55: {  	_ =	shalt  }
0x56: {  	_ =	shalt  }
0x57: {  	_ =	shalt  }
0x58: {  	_ =	shalt  }
0x59: {  	_ =	shalt  }
0x5a: {  	_ =	shalt  }
0x5b: {  	_ =	shalt  }
0x5c: {  	_ =	shalt  }
0x5d: {  	_ =	shalt  }
0x5e: {  	_ =	shalt  }
0x5f: {  	_ =	shalt  }
0x60: {  	_ =	shalt  }
0x61: {  	_ =	shalt  }
0x62: {  	_ =	shalt  }
0x63: {  	_ =	shalt  }
0x64: {  	_ =	shalt  }
0x65: {  	_ =	shalt  }
0x66: {  	_ =	shalt  }
0x67: {  	_ =	shalt  }
0x68: {  	_ =	shalt  }
0x69: {  	_ =	shalt  }
0x6a: {  	_ =	shalt  }
0x6b: {  	_ =	shalt  }
0x6c: {  	_ =	shalt  }
0x6d: {  	_ =	shalt  }
0x6e: {  	_ =	shalt  }
0x6f: {  	_ =	shalt  }
0x70: {  	_ =	shalt  }
0x71: {  	_ =	shalt  }
0x72: {  	_ =	shalt  }
0x73: {  	_ =	shalt  }
0x74: {  	_ =	shalt  }
0x75: {  	_ =	shalt  }
0x76: {  	_ =	shalt  }
0x77: {  	_ =	shalt  }
0x78: {  	_ =	shalt  }
0x79: {  	_ =	shalt  }
0x7a: {  	_ =	shalt  }
0x7b: {  	_ =	shalt  }
0x7c: {  	_ =	shalt  }
0x7d: {  	_ =	shalt  }
0x7e: {  	_ =	shalt  }
0x7f: {  	_ =	shalt  }
0x80: {  	_ =	shalt  }
0x81: {  	_ =	shalt  }
0x82: {  	_ =	shalt  }
0x83: {  	_ =	shalt  }
0x84: {  	_ =	shalt  }
0x85: {  	_ =	shalt  }
0x86: {  	_ =	shalt  }
0x87: {  	_ =	shalt  }
.Lfunc_end0:
.L_simem_size_0:
called_computation_lowered:
.L_overlay_start_0:
0x88: {  	s2 =	sld [smem:$0x3FD9]  }
0x89: {  	s3 =	sld [smem:$0x3FFE];
	_ =	sdelay $0x1  }
0x8a: {  	s1 =	srdreg.scid  }
0x8b: {  	s0 =	sand.u32 $0x1, s1  }
0x8c: {  	s14 =	sshll.u32 s0, $0xA;
	s2 =	sadd.s32 s3, s2  }
0x8d: {  	s2 =	sadd.s32 s2, s14  }
0x8e: {  	[smem:$0x3FBA] =	sst s2  }
0x8f: {  	_ = 	snop  }
0x90: {  	s2 =	sld [smem:$0x3FD0];
	_ =	sdelay $0x2  }
0x91: {  	s15 =	simm.s32 $0xA;
	s4 =	simm.s32 $0x10  }
0x92: {  	[smem:s4], [sflag:s15] =	dma.local [hbm:s2], $0x1  }
0x93: {  	_ =	swait.eq [sflag:s15], $0x1  }
0x94: {  	[sflag:s15] =	ssyncset.done $0x0  }
0x95: {  	[sflag:s15] =	ssyncadd.s32 $0xFFFFFFFF  }
0x96: {  	s16 =	sld [smem:$0x10];
	(tm) =	ssettm $0x1  }
0x97: {  	s17 =	sld [smem:$0x3FFB];
	_ =	sdelay $0x3  }
0x98: {  	_ =	strace s17  }
0x99: {  	s3 =	sld [smem:$0x3FFC];
	_ =	sdelay $0x3  }
0x9a: {  	_ =	strace s3  }
0x9b: {  	s3 =	sld [smem:$0x3FFD];
	_ =	sdelay $0x3  }
0x9c: {  	_ =	strace s3  }
0x9d: {  	_ =	strace $0x8FFFFFFF  }
0x9e: {  	s18 =	sld [smem:$0x3FDB];
	_ =	sdelay $0x1  }
0x9f: {  	s19 =	simm.s32 $_scs_section_size  }
0xa0: {  	s5 =	simm.s32 $_size__tile_overlayer_lowered;
	s6 =	simm.s32 $_tile_overlayer_lowered  }
0xa1: {  	s22 =	simm.s32 $0x1BFF;
	s21 =	sshll.u32 s6, $0x1;
	s3 =	sadd.s32 s19, s18  }
0xa2: {  	s7 =	simm.s32 $0x0;
	s20 =	sshll.u32 s5, $0x1;
	s5 =	sadd.s32 s21, s3  }
0xa3: {  	[timem:s7], [sflag:s22] =	dma.local [hbm:s5], s20  }
0xa4: {  	_ =	swait.ge [sflag:s22], s20  }
0xa5: {  	s4 =	ssub.s32 $0x0, s20;
	[sflag:s22] =	ssyncset.done $0x0  }
0xa6: {  	[sflag:s22] =	ssyncadd.s32 s4;
	_ =	sdelay $0x1  }
0xa7: {  	s23 =	simm.s32 $0x1B8B  }
0xa8: {  	_ =	swait.ge [sflag:s23], $0x1  }
0xa9: {  	[sflag:s23] =	ssyncset.done $0x0  }
0xaa: {  	s25 =	simm.s32 $0x1B8E;
	s24 =	sld [smem:$0x3FFE];
	[sflag:s23] =	ssyncadd.s32 $0xFFFFFFFF  }
0xab: {  	s26 =	simm.s32 $execute0_lowered;
	[smem:$0x3FD2] =	sst s25  }
0xac: {  	s5 =	sshll.u32 s26, $0x1;
	_ =	strace $0x80000046;
	[dreg:$0x1] =	wrdreg $0xFFFFFFFF  }
0xad: {  	s28 =	simm.s32 $_size_execute0_lowered;
	s3 =	sadd.s32 s3, s5;
	[dreg:$0x0] =	wrdreg $0x0  }
0xae: {  	s5 =	sshll.u32 s28, $0x1;
	[dreg:$0x2] =	wrdreg s3  }
0xaf: {  	[dreg:$0x3] =	wrdreg s5  }
0xb0: {  	[dreg:$0x4] =	wrdreg $0xC0  }
0xb1: {  	_ =	task [dreg:s7], $0x5FFFF  }
0xb2: {  	[dreg:$0x1] =	wrdreg $0xFFFFFFFF  }
0xb3: {  	[dreg:$0x0] =	wrdreg $0x60  }
0xb4: {  	[dreg:$0x2] =	wrdreg s24  }
0xb5: {  	[dreg:$0x3] =	wrdreg s16  }
0xb6: {  	[dreg:$0x4] =	wrdreg $0x9  }
0xb7: {  	_ =	task.clear_ibuf [dreg:s7], $0x5FFFF;
	_ =	strace $0x90000046  }
0xb8: {  	s29 =	simm.s32 $0x9;
	_ =	strace $0x80000048  }
0xb9: {  	_ =	swait.ge [sflag:s29], $0x1  }
0xba: {  	[sflag:s29] =	ssyncadd.s32 $0xFFFFFFFF  }
0xbb: {  	_ =	strace $0x90000048  }
0xbc: {  	_ =	sfence  }
0xbd: {  	s30 =	sld [smem:$0x0];
	_ =	sdelay $0x2  }
0xbe: {  	s31 =	sshll.u32 s1, $0xD;
	s1 =	sshrl.u32 s1, $0x2  }
0xbf: {  	s3 =	sand.u32 $0x4000, s31;
	s1 =	sadd.s32 s1, s30  }
0xc0: {  	s0 =	sor.u32 s3, s0;
	s1 =	sshll.u32 s1, $0x11  }
0xc1: {  	s0 =	sor.u32 s1, s0  }
0xc2: {  	s0 =	sadd.s32 $0x8F2B, s0  }
0xc3: {  	[sflag:s0] =	ssyncadd.remote.s32 $0x1  }
0xc4: {  	_ =	sfence.sel $0xFFFF  }
0xc5: {  	[dreg:$0x0] =	wrdreg $0xFFFFFFFF;
	(pc) =	sbr.abs _section_cstart, $3  }
0xc6: {  	[dreg:$0x1] =	wrdreg $0xFFFFFFFF  }
0xc7: {  	_ =	task.clear_ibuf [dreg:s7], $0x2FFFF;
	_ =	strace $0x9FFFFFFF  }
0xc8: {  	(tm) =	ssettm $0x7FFFFFFF  }
0xc9: {  	_ =	shalt  }
tec
execute0_lowered:
.L_overlay_start_1:
0x0: {  	(tag) =	ssettag $0x1  }
0x1: {  	s7 =	rddreg [dreg:$0x0]  }
0x2: {  	s9 =	rddreg [dreg:$0x1]  }
0x3: {  	s0 =	rddreg [dreg:$0x2];
	s1 =	simm.s32 $0x0  }
0x4: {  	s6 =	srdreg.scid;
	s2 =	stileid.u32;
	s14 =	simm.s32 $0x800  }
0x5: {  	s15 =	simm.s32 $0x6700;
	s16 =	simm.s32 $0x80;
	s17 =	simm.s32 $0x400  }
0x6: {  	s18 =	simm.s32 $0x1000;
	s19 =	simm.s32 $0x0;
	[smem:$0x7FF] =	sst s1  }
0x7: {  	s3 =	sadd.s32 $0xBA00, s7;
	s4 =	sadd.s32 $0x1C00, s7;
	s5 =	sadd.s32 $0x29400, s7  }
0x8: {  	s8 =	sand.u32 $0x1, s6;
	s10 =	sshll.u32 s2, $0x1;
	s6 =	sadd.s32 $0x29A00, s7  }
0x9: {  	_ =	strace $0x80000047;
	s10 =	sor.u32 s8, s10;
	s8 =	ssub.s32 $0x2, s8  }
0xa: {  	s11 =	sshll.u32 s10, $0xB;
	s12 =	sshrl.u32 s8, $0x1;
	s13 =	smul.u32 $0x4F0, s10  }
0xb: {  	s11 =	sadd.s32 s11, s7;
	s12 =	ssub.s32 s8, s12;
	s7 =	smul.u32 $0x2710, s10  }
0xc: {  	s8 =	sadd.s32 $0x2A000, s11;
	s9 =	sadd.s32 s9, s13;
	s10 =	smax.u32 s12, $0x1  }
0xd: {  	v0 =	vimm.f32 $0.0e+00;
	s11 =	simm.s32 $0x1800;
	s12 =	simm.s32 $0x1;
	s13 =	simm.s32 $0x3F80  }
.LBB2_1:
0xe: {  	[tilespmem:s11], [sflag:$0x1] =	stream.linear.gather [hbm4b:s5+s1], $0x2780, $0x38;
	[tilespmem:$0x8E80] =	vst v63  }
0xf: {  	_ =	swait.ge [sflag:s12], $0x2780  }
0x10: {  	[sflag:s12] =	ssyncset.done $0x0  }
0x11: {  	[sflag:s12] =	ssyncadd.s32 $0xFFFFD880  }
0x12: {  	[tilespmem:s13], [sflag:$0x1] =	stream.linear.gather [hbm4b:s6+s1], $0x2780, $0x38;
	[tilespmem:$0x8E80] =	vst v63  }
0x13: {  	_ =	swait.ge [sflag:s12], $0x2780  }
0x14: {  	[sflag:s12] =	ssyncset.done $0x0  }
0x15: {  	s20 =	simm.s32 $0x40;
	s21 =	simm.s32 $0x0;
	[sflag:s12] =	ssyncadd.s32 $0xFFFFD880  }
.LBB2_2:
0x16: {  	p0 =	sne.s32 s20, $0x9C00;
	[tilespmem:s21+$0x6700] =	vst v0;
	s21 =	smov.u32 s20;
	s20 =	sadd.s32 $0x40, s20  }
.Ltmp0:
0x17: {  	(pc) =	sbr.rel @p0 .LBB2_2-.Ltmp0, $2  }
0x18: {  	_ =	sdelay $0x2  }
0x19: {  	s21 =	sshra.s32 s21, $0x2  }
0x1a: {  	[tilespmem:s21+$0x6700] =	vst v0;
	s20 =	simm.s32 $0x0;
	s21 =	simm.s32 $0x0  }
.LBB2_4:
0x1b: {  	s22 =	smul.u32 $0x7D0, s21;
	_ =	sdelay $0x1  }
0x1c: {  	s22 =	sadd.s32 s7, s22  }
0x1d: {  	s22 =	sshrl.u32 s22, $0x3  }
0x1e: {  	s23 =	sadd.s32 s3, s22  }
0x1f: {  	[tilespmem:s20], [sflag:$0x1] =	stream.linear.gather [hbm4b:s23+s20], $0x7D0, $0x38;
	[tilespmem:$0x8E80] =	vst v63  }
0x20: {  	_ =	swait.ge [sflag:s12], $0x7D0  }
0x21: {  	[sflag:s12] =	ssyncset.done $0x0  }
0x22: {  	s22 =	sadd.s32 s4, s22;
	[sflag:s12] =	ssyncadd.s32 $0xFFFFF830  }
0x23: {  	[tilespmem:s14], [sflag:$0x1] =	stream.linear.gather [hbm4b:s22+s20], $0x7D0, $0x38;
	[tilespmem:$0x8E80] =	vst v63  }
0x24: {  	_ =	swait.ge [sflag:s12], $0x7D0  }
0x25: {  	[sflag:s12] =	ssyncset.done $0x0  }
0x26: {  	s22 =	simm.s32 $0x0;
	[sflag:s12] =	ssyncadd.s32 $0xFFFFF830  }
0x27: {  	v1 =	vld [tilespmem:s22+$0x800]  }
0x28: {  	s23 =	simm.s32 $0x40;
	v2 =	vld [tilespmem:s22+$0x0]  }
.LBB2_5:
0x29: {  	p0 =	sne.s32 s23, $0x1F00;
	_ =	sdelay $0x5  }
0x2a: {  	v3 =	vld.idx.msk [tilespmem:v1+s13+$0x0], $0xffff  }
0x2b: {  	v2 =	vld.idx.msk [tilespmem:v2+s11+$0x0], $0xffff;
	_ =	sdelay $0x5  }
0x2c: {  	v2 =	vadd.f32 v3, v2;
	_ =	sdelay $0x1  }
0x2d: {  	v3 =	vmul.f32 $2.000000030e-01, v2  }
0x2e: {  	vm0 =	vgt.f32 v2, $0.0e+00  }
0x2f: {  	v2 =	vsel vm0, v2, v3  }
0x30: {  	v2 =	vmul.f32 $1.442695020e+00, v2;
	_ =	sdelay $0x1  }
0x31: {  	(erf) = vpow2.f32 v2;
	_ =	sdelay $0x7  }
.Ltmp1:
0x32: {  	(pc) =	sbr.rel @p0 .LBB2_5-.Ltmp1, $4  }
0x33: {  	v2 =	vpop (erf)  }
0x34: {  	s24 =	sshra.s32 s23, $0x2;
	[tilespmem:v1+s15+$0x0] =	vst.idx.add.f32.msk $0xffff, v2  }
0x35: {  	v1 =	vld [tilespmem:s24+$0x800];
	[tilespmem:s22+$0x1000] =	vst v2;
	s22 =	smov.u32 s24  }
0x36: {  	s23 =	sadd.s32 $0x40, s23;
	v2 =	vld [tilespmem:s22+$0x0]  }
0x37: {  	_ =	sdelay $0x6  }
0x38: {  	v3 =	vld.idx.msk [tilespmem:v1+s13+$0x0], $0xffff  }
0x39: {  	v2 =	vld.idx.msk [tilespmem:v2+s11+$0x0], $0xffff;
	_ =	sdelay $0x4  }
0x3a: {  	v2 =	vadd.f32 v3, v2;
	_ =	sdelay $0x1  }
0x3b: {  	v3 =	vmul.f32 $2.000000030e-01, v2  }
0x3c: {  	vm0 =	vgt.f32 v2, $0.0e+00  }
0x3d: {  	v2 =	vsel vm0, v2, v3  }
0x3e: {  	v2 =	vmul.f32 $1.442695020e+00, v2;
	_ =	sdelay $0x1  }
0x3f: {  	(erf) = vpow2.f32 v2;
	_ =	sdelay $0x8  }
0x40: {  	s23 =	sshll.u32 s21, $0x4;
	s21 =	sadd.s32 $0x1, s21;
	v2 =	vpop (erf)  }
0x41: {  	p0 =	sne.s32 s21, $0x5;
	[tilespmem:v1+s15+$0x0] =	vst.idx.add.f32.msk $0xffff, v2  }
.Ltmp2:
0x42: {  	s31 =	sadd.s32 s23, s8;
	[tilespmem:s22+$0x1000] =	vst v2;
	(pc) =	sbr.rel @p0 .LBB2_4-.Ltmp2, $4  }
0x43: {  	[hbm4b:s31+s16] =	stream.strided.scatter [tilespmem:s18], [sflag:$0x1], $0x800, s17, s16, $0x38;
	[tilespmem:$0x8E80] =	vst v63  }
0x44: {  	_ =	swait.ge [sflag:s12], $0x800  }
0x45: {  	[sflag:s12] =	ssyncset.done $0x0  }
0x46: {  	[sflag:s12] =	ssyncadd.s32 $0xFFFFF800  }
0x47: {  	s19 =	sadd.s32 $0x1, s19  }
0x48: {  	p0 =	sne.s32 s19, s10  }
.Ltmp3:
0x49: {  	_ = 	snop;
	(pc) =	sbr.rel @p0 .LBB2_1-.Ltmp3, $4  }
0x4a: {  	[hbm4b:s9+s1] =	stream.linear.scatter [tilespmem:s15], [sflag:$0x1], $0x2780, $0x38;
	[tilespmem:$0x8E80] =	vst v63  }
0x4b: {  	_ =	swait.ge [sflag:s12], $0x2780  }
0x4c: {  	[sflag:s12] =	ssyncset.done $0x0  }
0x4d: {  	[sflag:s12] =	ssyncadd.s32 $0xFFFFD880  }
0x4e: {  	_ =	sfence.sel $0x180000  }
0x4f: {  	[bflag:$0x0] =	sbarrier.arrive $0xFFFF  }
0x50: {  	p0 =	sne.s32 s2, $0x0;
	_ =	strace $0x90000047  }
0x51: {  	s0 =	sadd.s32 @!p0 $0x100000, s0;
	[bflag:$0x2] =	sbarrier.arrive $0xFFFF  }
0x52: {  	[sflag:s0] =	ssyncadd.tile.s32 @!p0 $0x1;
	_ =	shalt  }
.Lfunc_end2:
_tile_overlayer_lowered:
.L_overlay_start_2:
0x53: {  	(tag) =	ssettag $0x2  }
0x54: {  	s0 =	rddreg [dreg:$0x0];
	s2 =	stileid.u32  }
0x55: {  	s1 =	rddreg [dreg:$0x1];
	p0 =	sne.s32 s2, $0x0  }
0x56: {  	s3 =	rddreg [dreg:$0x2];
	[bflag:$0x3] =	sbarrier.arrive $0xFFFF;
	s2 =	simm.s32 @!p0 $0x1C01  }
0x57: {  	[timem:s3], [sflag:s2] =	dma.local @!p0 [hbm:s0], s1  }
0x58: {  	s0 =	simm.s32 @!p0 $0x1  }
0x59: {  	_ =	swait.ge @!p0 [sflag:s0], s1  }
0x5a: {  	s1 =	ssub.s32 @!p0 $0x0, s1;
	[sflag:s0] =	ssyncset.done @!p0 $0x0  }
0x5b: {  	[sflag:s0] =	ssyncadd.s32 @!p0 s1  }
0x5c: {  	[bflag:$0x3] =	sbarrier.arrive $0xFFFF  }
0x5d: {  	_ =	shalt  }

// kernel: kernel.9.cloned.1.call-start
scs
__scs_entry_jumppad:
0x0: {  	(pc) =	sbr.rel $0x88, $3  }
0x1: {  	(tag) =	ssettag $0x0;
	lr =	simm.s32 $0x1  }
0x2: {  	[smem:$0x3F93] =	sst lr;
	_ =	strace $0xD0000000  }
0x3: {  	_ = 	snop  }
0x4: {  	_ = 	snop  }
0x5: {  	_ = 	snop  }
0x6: {  	_ = 	snop  }
0x7: {  	_ = 	snop  }
__scs_overlays_trampoline_lowered:
0x8: {  	[smem:$0x3FA2] =	sst s0  }
0x9: {  	[smem:$0x3FA3] =	sst s1  }
0xa: {  	[smem:$0x3FA4] =	sst s2  }
0xb: {  	[smem:$0x3FA5] =	sst s3  }
0xc: {  	[smem:$0x3FA6] =	sst s4  }
0xd: {  	[smem:$0x3FA7] =	sst s5  }
0xe: {  	[smem:$0x3FA8] =	sst s6  }
0xf: {  	[smem:$0x3FA9] =	sst s7  }
0x10: {  	[smem:$0x3FAA] =	sst s8  }
0x11: {  	[smem:$0x3FAB] =	sst s9;
	s0 =	simm.s32 @!p0 $0x0  }
0x12: {  	s1 =	sld [smem:$0x3F91];
	s0 =	simm.s32 @p0 $0x1  }
0x13: {  	[smem:$0x3FAC] =	sst s0;
	s0 =	simm.s32 @!p1 $0x0  }
0x14: {  	s2 =	sld [smem:$0x3F90];
	s0 =	simm.s32 @p1 $0x1  }
0x15: {  	[smem:$0x3FAD] =	sst s0;
	s0 =	simm.s32 @!p2 $0x0  }
0x16: {  	s3 =	sld [smem:$0x3FDB];
	s0 =	simm.s32 @p2 $0x1  }
0x17: {  	s4 =	simm.s32 $0x1BF5;
	[smem:$0x3FAF] =	sst s0  }
0x18: {  	s0 =	sld [smem:$0x3F92];
	_ =	swait.ge [sflag:s4], $0x0  }
0x19: {  	s7 =	sld [smem:$0x3F93]  }
0x1a: {  	s8 =	sadd.s32 $0xFFFFE003, lr  }
0x1b: {  	s9 =	sadd.s32 $0xFFFFFEF7, lr;
	s5 =	simm.s32 $0xFFFFFFFF;
	p2 =	slt.u32 s8, $0xFFFFF086  }
0x1c: {  	p1 =	slt.u32 s9, $0xF7A;
	s5 =	simm.s32 @!p2 $0x0  }
0x1d: {  	s5 =	simm.s32 @p1 $0x1;
	p0 =	seq.s32 s7, s2  }
0x1e: {  	s7 =	smul.u32 @!p0 $0xF7A, s2;
	p2 =	seq.s32 @!p0 s5, $0x0  }
0x1f: {  	s9 =	smul.u32 $0xF7A, s1;
	s8 =	simm.s32 @!p0 $0x1BF5;
	p2 =	por !p2, p0  }
0x20: {  	[sflag:s8] =	ssyncset.s32 @!p0 $0xFFFFF086;
	s6 =	sadd.s32 @!p0 s3, s7;
	s7 =	simm.s32 @!p0 $0x108  }
0x21: {  	s3 =	sadd.s32 s3, s9;
	s6 =	sadd.s32 @!p0 $0x88, s6;
	s7 =	simm.s32 @p2 $0x1082  }
0x22: {  	[simem:s7], [sflag:s8] =	dma.local @!p0 [hbm:s6], $0xF7A  }
0x23: {  	s9 =	sor.u32 $0xD0000000, s2;
	s6 =	simm.s32 $0x108;
	_ =	swait.ge @!p0 [sflag:s8], $0x0  }
0x24: {  	s3 =	sadd.s32 $0x88, s3;
	s6 =	simm.s32 @!p1 $0x1082;
	[sflag:s4] =	ssyncset.s32 $0xFFFFF086  }
0x25: {  	[simem:s6], [sflag:s4] =	dma.local [hbm:s3], $0xF7A  }
0x26: {  	[smem:$0x3F93] =	sst s1;
	(tag) =	ssettag s2;
	_ =	strace s9  }
0x27: {  	s1 =	sld [smem:$0x3FA3]  }
0x28: {  	s2 =	sld [smem:$0x3FA4]  }
0x29: {  	s4 =	sld [smem:$0x3FA6]  }
0x2a: {  	p0 =	seq.s32 s5, $0x0;
	s5 =	sld [smem:$0x3FA7]  }
0x2b: {  	s6 =	sld [smem:$0x3FA8]  }
0x2c: {  	s7 =	sld [smem:$0x3FA9]  }
0x2d: {  	s3 =	simm.s32 $0x108;
	s8 =	sld [smem:$0x3FAA]  }
0x2e: {  	s3 =	simm.s32 @!p0 $0x1082;
	s9 =	sld [smem:$0x3FAB]  }
0x2f: {  	lr =	sadd.s32 s0, s3;
	s0 =	sld [smem:$0x3FA2]  }
0x30: {  	s3 =	sld [smem:$0x3FA5]  }
0x31: {  	[smem:$0x3FAE] =	sst s10  }
0x32: {  	s10 =	sld [smem:$0x3FAC];
	_ =	sdelay $0x3  }
0x33: {  	p0 =	seq.s32 s10, $0x1;
	s10 =	sld [smem:$0x3FAE];
	_ =	sdelay $0x3  }
0x34: {  	[smem:$0x3FAE] =	sst s10  }
0x35: {  	s10 =	sld [smem:$0x3FAD];
	_ =	sdelay $0x3  }
0x36: {  	p1 =	seq.s32 s10, $0x1;
	s10 =	sld [smem:$0x3FAE];
	_ =	sdelay $0x3  }
0x37: {  	[smem:$0x3FAE] =	sst s10  }
0x38: {  	s10 =	sld [smem:$0x3FAF]  }
0x39: {  	_ = 	snop;
	(pc) =	sbr.ind lr, $3  }
0x3a: {  	_ = 	snop  }
0x3b: {  	_ = 	snop  }
0x3c: {  	p2 =	seq.s32 s10, $0x1;
	s10 =	sld [smem:$0x3FAE]  }
0x3d: {  	_ =	shalt  }
0x3e: {  	_ =	shalt  }
0x3f: {  	_ =	shalt  }
0x40: {  	_ =	shalt  }
0x41: {  	_ =	shalt  }
0x42: {  	_ =	shalt  }
0x43: {  	_ =	shalt  }
0x44: {  	_ =	shalt  }
0x45: {  	_ =	shalt  }
0x46: {  	_ =	shalt  }
0x47: {  	_ =	shalt  }
0x48: {  	_ =	shalt  }
0x49: {  	_ =	shalt  }
0x4a: {  	_ =	shalt  }
0x4b: {  	_ =	shalt  }
0x4c: {  	_ =	shalt  }
0x4d: {  	_ =	shalt  }
0x4e: {  	_ =	shalt  }
0x4f: {  	_ =	shalt  }
0x50: {  	_ =	shalt  }
0x51: {  	_ =	shalt  }
0x52: {  	_ =	shalt  }
0x53: {  	_ =	shalt  }
0x54: {  	_ =	shalt  }
0x55: {  	_ =	shalt  }
0x56: {  	_ =	shalt  }
0x57: {  	_ =	shalt  }
0x58: {  	_ =	shalt  }
0x59: {  	_ =	shalt  }
0x5a: {  	_ =	shalt  }
0x5b: {  	_ =	shalt  }
0x5c: {  	_ =	shalt  }
0x5d: {  	_ =	shalt  }
0x5e: {  	_ =	shalt  }
0x5f: {  	_ =	shalt  }
0x60: {  	_ =	shalt  }
0x61: {  	_ =	shalt  }
0x62: {  	_ =	shalt  }
0x63: {  	_ =	shalt  }
0x64: {  	_ =	shalt  }
0x65: {  	_ =	shalt  }
0x66: {  	_ =	shalt  }
0x67: {  	_ =	shalt  }
0x68: {  	_ =	shalt  }
0x69: {  	_ =	shalt  }
0x6a: {  	_ =	shalt  }
0x6b: {  	_ =	shalt  }
0x6c: {  	_ =	shalt  }
0x6d: {  	_ =	shalt  }
0x6e: {  	_ =	shalt  }
0x6f: {  	_ =	shalt  }
0x70: {  	_ =	shalt  }
0x71: {  	_ =	shalt  }
0x72: {  	_ =	shalt  }
0x73: {  	_ =	shalt  }
0x74: {  	_ =	shalt  }
0x75: {  	_ =	shalt  }
0x76: {  	_ =	shalt  }
0x77: {  	_ =	shalt  }
0x78: {  	_ =	shalt  }
0x79: {  	_ =	shalt  }
0x7a: {  	_ =	shalt  }
0x7b: {  	_ =	shalt  }
0x7c: {  	_ =	shalt  }
0x7d: {  	_ =	shalt  }
0x7e: {  	_ =	shalt  }
0x7f: {  	_ =	shalt  }
0x80: {  	_ =	shalt  }
0x81: {  	_ =	shalt  }
0x82: {  	_ =	shalt  }
0x83: {  	_ =	shalt  }
0x84: {  	_ =	shalt  }
0x85: {  	_ =	shalt  }
0x86: {  	_ =	shalt  }
0x87: {  	_ =	shalt  }
.Lfunc_end0:
.L_simem_size_0:
called_computation.1_lowered:
.L_overlay_start_0:
0x88: {  	s2 =	sld [smem:$0x3FD9]  }
0x89: {  	s3 =	sld [smem:$0x3FFE];
	_ =	sdelay $0x1  }
0x8a: {  	s1 =	srdreg.scid  }
0x8b: {  	s0 =	sand.u32 $0x1, s1  }
0x8c: {  	s16 =	sshll.u32 s0, $0xA;
	s2 =	sadd.s32 s3, s2  }
0x8d: {  	s2 =	sadd.s32 s2, s16  }
0x8e: {  	[smem:$0x3FBA] =	sst s2  }
0x8f: {  	_ = 	snop  }
0x90: {  	(tm) =	ssettm $0x1  }
0x91: {  	s17 =	sld [smem:$0x3FFB];
	_ =	sdelay $0x3  }
0x92: {  	_ =	strace s17  }
0x93: {  	s2 =	sld [smem:$0x3FFC];
	_ =	sdelay $0x3  }
0x94: {  	_ =	strace s2  }
0x95: {  	s2 =	sld [smem:$0x3FFD];
	_ =	sdelay $0x3  }
0x96: {  	_ =	strace s2  }
0x97: {  	_ =	strace $0x8FFFFFFF  }
0x98: {  	s18 =	sld [smem:$0x3FDB];
	_ =	sdelay $0x1  }
0x99: {  	s19 =	simm.s32 $_scs_section_size  }
0x9a: {  	s4 =	simm.s32 $_size__tile_overlayer_lowered;
	s5 =	simm.s32 $_tile_overlayer_lowered  }
0x9b: {  	s22 =	simm.s32 $0x1BFF;
	s21 =	sshll.u32 s5, $0x1;
	s2 =	sadd.s32 s19, s18  }
0x9c: {  	s6 =	simm.s32 $0x0;
	s20 =	sshll.u32 s4, $0x1;
	s4 =	sadd.s32 s21, s2  }
0x9d: {  	[timem:s6], [sflag:s22] =	dma.local [hbm:s4], s20  }
0x9e: {  	_ =	swait.ge [sflag:s22], s20  }
0x9f: {  	s3 =	ssub.s32 $0x0, s20;
	[sflag:s22] =	ssyncset.done $0x0  }
0xa0: {  	[sflag:s22] =	ssyncadd.s32 s3;
	_ =	sdelay $0x1  }
0xa1: {  	s23 =	simm.s32 $0x1B8B  }
0xa2: {  	_ =	swait.ge [sflag:s23], $0x1  }
0xa3: {  	[sflag:s23] =	ssyncset.done $0x0  }
0xa4: {  	s25 =	simm.s32 $0x1B8E;
	s24 =	sld [smem:$0x3FFE];
	[sflag:s23] =	ssyncadd.s32 $0xFFFFFFFF  }
0xa5: {  	s26 =	simm.s32 $execute0_lowered;
	[smem:$0x3FD2] =	sst s25  }
0xa6: {  	s4 =	sshll.u32 s26, $0x1;
	_ =	strace $0x80000049;
	[dreg:$0x1] =	wrdreg $0xFFFFFFFF  }
0xa7: {  	s28 =	simm.s32 $_size_execute0_lowered;
	s2 =	sadd.s32 s2, s4;
	[dreg:$0x0] =	wrdreg $0x0  }
0xa8: {  	s4 =	sshll.u32 s28, $0x1;
	[dreg:$0x2] =	wrdreg s2  }
0xa9: {  	[dreg:$0x3] =	wrdreg s4  }
0xaa: {  	[dreg:$0x4] =	wrdreg $0xC0  }
0xab: {  	_ =	task [dreg:s6], $0x5FFFF  }
0xac: {  	[dreg:$0x1] =	wrdreg $0xFFFFFFFF  }
0xad: {  	[dreg:$0x0] =	wrdreg $0x60  }
0xae: {  	[dreg:$0x2] =	wrdreg s24  }
0xaf: {  	[dreg:$0x3] =	wrdreg $0x9  }
0xb0: {  	_ =	task.clear_ibuf [dreg:s6], $0x4FFFF;
	_ =	strace $0x90000049  }
0xb1: {  	s29 =	simm.s32 $0x9;
	_ =	strace $0x8000004B  }
0xb2: {  	_ =	swait.ge [sflag:s29], $0x1  }
0xb3: {  	[sflag:s29] =	ssyncadd.s32 $0xFFFFFFFF  }
0xb4: {  	_ =	strace $0x9000004B  }
0xb5: {  	_ =	sfence  }
0xb6: {  	s30 =	sld [smem:$0x0];
	_ =	sdelay $0x2  }
0xb7: {  	s31 =	sshll.u32 s1, $0xD;
	s1 =	sshrl.u32 s1, $0x2  }
0xb8: {  	s3 =	sand.u32 $0x4000, s31;
	s1 =	sadd.s32 s1, s30  }
0xb9: {  	s0 =	sor.u32 s3, s0;
	s1 =	sshll.u32 s1, $0x11  }
0xba: {  	s0 =	sor.u32 s1, s0  }
0xbb: {  	s0 =	sadd.s32 $0x8F2B, s0  }
0xbc: {  	[sflag:s0] =	ssyncadd.remote.s32 $0x1  }
0xbd: {  	_ =	sfence.sel $0xFFFF  }
0xbe: {  	[dreg:$0x0] =	wrdreg $0xFFFFFFFF;
	(pc) =	sbr.abs _section_cstart, $3  }
0xbf: {  	[dreg:$0x1] =	wrdreg $0xFFFFFFFF  }
0xc0: {  	_ =	task.clear_ibuf [dreg:s6], $0x2FFFF;
	_ =	strace $0x9FFFFFFF  }
0xc1: {  	(tm) =	ssettm $0x7FFFFFFF  }
tec
execute0_lowered:
.L_overlay_start_1:
0x0: {  	(tag) =	ssettag $0x1  }
0x1: {  	s0 =	srdreg.scid  }
0x2: {  	s2 =	stileid.u32;
	s1 =	rddreg [dreg:$0x0]  }
0x3: {  	s13 =	simm.s32 $0x80;
	s15 =	simm.s32 $0x3000;
	s16 =	simm.s32 $0x7  }
0x4: {  	s17 =	simm.s32 $0x5780;
	s18 =	simm.s32 $0x400;
	s21 =	simm.s32 $0x1  }
0x5: {  	s28 =	simm.s32 $0x7F00;
	s29 =	simm.s32 $0xA680;
	s30 =	simm.s32 $0xCE00  }
0x6: {  	s31 =	simm.s32 $0xF580;
	s0 =	sand.u32 $0x1, s0;
	s3 =	sshll.u32 s2, $0x1  }
0x7: {  	s19 =	simm.s32 $0x6;
	s20 =	simm.s32 $0x200;
	s4 =	sor.u32 s0, s3  }
0x8: {  	s2 =	simm.s32 $0x0;
	s5 =	sadd.s32 $0x1C00, s1;
	s6 =	smul.u32 $0x9E0, s4  }
0x9: {  	[smem:$0x7FF] =	sst s2;
	s3 =	sadd.s32 $0x2A000, s1;
	s0 =	ssub.s32 $0x2, s0  }
0xa: {  	_ =	strace $0x8000004A;
	s7 =	smul.u32 $0x13C0, s4;
	s6 =	sadd.s32 s6, s1  }
0xb: {  	s4 =	sadd.s32 $0xBA00, s1;
	s22 =	sshrl.u32 s0, $0x1;
	s23 =	sadd.s32 $0x15800, s6  }
0xc: {  	s1 =	sadd.s32 s7, s1;
	s6 =	sadd.s32 $0x15810, s6;
	[dreg:$0x2] =	wrdreg s23  }
0xd: {  	s0 =	ssub.s32 s0, s22;
	s24 =	sadd.s32 $0x3A000, s1;
	[dreg:$0x3] =	wrdreg s6  }
0xe: {  	s22 =	simm.s32 $0x2;
	s25 =	sadd.s32 $0x3A010, s1;
	[dreg:$0x4] =	wrdreg s24  }
0xf: {  	s12 =	smax.u32 s0, $0x1;
	s26 =	sadd.s32 $0x3A020, s1;
	[dreg:$0x5] =	wrdreg s25  }
0x10: {  	s0 =	simm.s32 $0x5;
	s1 =	sadd.s32 $0x3A030, s1;
	[dreg:$0x6] =	wrdreg s26  }
0x11: {  	[dreg:$0x7] =	wrdreg s1;
	s23 =	simm.s32 $0x3;
	s24 =	simm.s32 $0x1800  }
0x12: {  	v0 =	vimm.f32 $0.0e+00;
	s25 =	simm.s32 $0x2000;
	s26 =	simm.s32 $0x2800;
	s1 =	simm.s32 $0x4  }
.LBB2_1:
0x13: {  	s6 =	rddreg [dreg:$0x2];
	s7 =	simm.s32 $0x100  }
0x14: {  	[tilespmem:s15], [sflag:$0x7] =	stream.strided.gather [hbm4b:s6+s13], $0x2780, s7, s13, $0x38;
	[tilespmem:$0x11D00] =	vst v63  }
0x15: {  	_ =	swait.ge [sflag:s16], $0x2780  }
0x16: {  	[sflag:s16] =	ssyncset.done $0x0  }
0x17: {  	s14 =	rddreg [dreg:$0x3];
	[sflag:s16] =	ssyncadd.s32 $0xFFFFD880  }
0x18: {  	[tilespmem:s17], [sflag:$0x7] =	stream.strided.gather [hbm4b:s14+s13], $0x2780, s7, s13, $0x38;
	[tilespmem:$0x11D00] =	vst v63  }
0x19: {  	_ =	swait.ge [sflag:s16], $0x2780  }
0x1a: {  	[sflag:s16] =	ssyncset.done $0x0  }
0x1b: {  	s6 =	simm.s32 $0x0;
	s7 =	simm.s32 $0x40;
	[sflag:s16] =	ssyncadd.s32 $0xFFFFD880  }
.LBB2_2:
0x1c: {  	p0 =	sne.s32 s7, $0x9C00;
	[tilespmem:s6+$0xF580] =	vst v0;
	s8 =	smov.u32 s7;
	s7 =	sadd.s32 $0x40, s7  }
.Ltmp0:
0x1d: {  	[tilespmem:s6+$0xCE00] =	vst v0;
	(pc) =	sbr.rel @p0 .LBB2_2-.Ltmp0, $3  }
0x1e: {  	[tilespmem:s6+$0x7F00] =	vst v0  }
0x1f: {  	[tilespmem:s6+$0xA680] =	vst v0;
	_ =	sdelay $0x1  }
0x20: {  	s6 =	sshra.s32 s8, $0x2  }
0x21: {  	[tilespmem:s6+$0xF580] =	vst v0  }
0x22: {  	[tilespmem:s6+$0xCE00] =	vst v0  }
0x23: {  	[tilespmem:s6+$0x7F00] =	vst v0  }
0x24: {  	[tilespmem:s6+$0xA680] =	vst v0;
	s6 =	simm.s32 $0x0  }
0x25: {  	[tilespmem:s6], [sflag:$0x1] =	stream.strided.gather [hbm4b:s3+s13], $0x800, s18, s13, $0x38;
	[tilespmem:$0x11D00] =	vst v63  }
0x26: {  	s7 =	simm.s32 $0x800  }
0x27: {  	[tilespmem:s7], [sflag:$0x2] =	stream.linear.gather [hbm4b:s4+s6], $0x7D0, $0x38;
	[tilespmem:$0x11D00] =	vst v63  }
0x28: {  	s14 =	simm.s32 $0x1000;
	s7 =	simm.s32 $0x0  }
0x29: {  	[tilespmem:s14], [sflag:$0x3] =	stream.linear.gather [hbm4b:s5+s6], $0x7D0, $0x38;
	[tilespmem:$0x11D00] =	vst v63  }
.LBB2_4:
0x2a: {  	s8 =	sshllo.u32 s7, $0x1  }
0x2b: {  	s9 =	smul.u32 $0xCD, s8  }
0x2c: {  	_ =	swait.ge [sflag:s21], $0x800  }
0x2d: {  	[sflag:s21] =	ssyncset.done $0x0;
	s14 =	sshrl.u32 s9, $0xA  }
0x2e: {  	[sflag:s21] =	ssyncadd.s32 $0xFFFFF800;
	s14 =	smul.u32 $0x5, s14  }
0x2f: {  	_ =	swait.ge [sflag:s22], $0x7D0  }
0x30: {  	[sflag:s22] =	ssyncset.done $0x0;
	s14 =	ssub.s32 s8, s14  }
0x31: {  	[sflag:s22] =	ssyncadd.s32 $0xFFFFF830;
	s14 =	sshll.u32 s14, $0x4  }
0x32: {  	s9 =	sshll.u32 s9, $0x1;
	_ =	swait.ge [sflag:s23], $0x7D0;
	s14 =	sand.u32 $0xF0, s14  }
0x33: {  	s9 =	sand.u32 $0x1F800, s9;
	[sflag:s23] =	ssyncset.done $0x0;
	s14 =	sadd.s32 s14, s3  }
0x34: {  	s8 =	smul.u32 $0xFA, s8;
	[sflag:s23] =	ssyncadd.s32 $0xFFFFF830;
	s9 =	sadd.s32 s9, s14  }
0x35: {  	[tilespmem:s24], [sflag:$0x4] =	stream.strided.gather [hbm4b:s9+s13], $0x800, s18, s13, $0x38;
	[tilespmem:$0x11D00] =	vst v63  }
0x36: {  	s14 =	sadd.s32 s4, s8  }
0x37: {  	[tilespmem:s25], [sflag:$0x5] =	stream.linear.gather [hbm4b:s14+s6], $0x7D0, $0x38;
	[tilespmem:$0x11D00] =	vst v63  }
0x38: {  	s8 =	sadd.s32 s5, s8  }
0x39: {  	[tilespmem:s26], [sflag:$0x6] =	stream.linear.gather [hbm4b:s8+s6], $0x7D0, $0x38;
	[tilespmem:$0x11D00] =	vst v63  }
0x3a: {  	s14 =	simm.s32 $0x0;
	s8 =	sshll.u32 s7, $0x1  }
.LBB2_5:
0x3b: {  	s9 =	sshra.s32 s14, $0x2  }
0x3c: {  	v1 =	vld [tilespmem:s9+$0x800];
	_ =	sdelay $0x6  }
0x3d: {  	v2 =	vld [tilespmem:s9+$0x1000]  }
0x3e: {  	v3 =	vld.idx.msk [tilespmem:v1+s15+$0x0], $0xffff  }
0x3f: {  	v4 =	vld [tilespmem:s9+$0x0];
	_ =	sdelay $0x3  }
0x40: {  	v5 =	vshll.u32 v3, $0x10  }
0x41: {  	v3 =	vand.u32 $0xFFFF0000, v3;
	v5 =	vmul.f32 v5, v4  }
0x42: {  	v3 =	vmul.f32 v3, v4  }
0x43: {  	[tilespmem:v2+s28+$0x0] =	vst.idx.add.f32.msk $0xffff, v5  }
0x44: {  	[tilespmem:v2+s29+$0x0] =	vst.idx.add.f32.msk $0xffff, v3  }
0x45: {  	v1 =	vld.idx.msk [tilespmem:v1+s17+$0x0], $0xffff;
	_ =	sdelay $0x4  }
0x46: {  	v3 =	vshll.u32 v1, $0x10  }
0x47: {  	v1 =	vand.u32 $0xFFFF0000, v1;
	v3 =	vmul.f32 v3, v4  }
0x48: {  	v1 =	vmul.f32 v1, v4  }
0x49: {  	[tilespmem:v2+s30+$0x0] =	vst.idx.add.f32.msk $0xffff, v3  }
0x4a: {  	[tilespmem:v2+s31+$0x0] =	vst.idx.add.f32.msk $0xffff, v1  }
0x4b: {  	v1 =	vld [tilespmem:s9+$0x810];
	_ =	sdelay $0x6  }
0x4c: {  	v2 =	vld [tilespmem:s9+$0x1010]  }
0x4d: {  	v3 =	vld.idx.msk [tilespmem:v1+s15+$0x0], $0xffff  }
0x4e: {  	v56 =	vld [tilespmem:s9+$0x10];
	_ =	sdelay $0x3  }
0x4f: {  	v57 =	vshll.u32 v3, $0x10  }
0x50: {  	v3 =	vand.u32 $0xFFFF0000, v3;
	v5 =	vmul.f32 v57, v56  }
0x51: {  	v3 =	vmul.f32 v3, v56  }
0x52: {  	[tilespmem:v2+s28+$0x0] =	vst.idx.add.f32.msk $0xffff, v5  }
0x53: {  	[tilespmem:v2+s29+$0x0] =	vst.idx.add.f32.msk $0xffff, v3  }
0x54: {  	v1 =	vld.idx.msk [tilespmem:v1+s17+$0x0], $0xffff;
	_ =	sdelay $0x4  }
0x55: {  	v3 =	vshll.u32 v1, $0x10  }
0x56: {  	v1 =	vand.u32 $0xFFFF0000, v1;
	v3 =	vmul.f32 v3, v56  }
0x57: {  	v1 =	vmul.f32 v1, v56  }
0x58: {  	[tilespmem:v2+s30+$0x0] =	vst.idx.add.f32.msk $0xffff, v3  }
0x59: {  	[tilespmem:v2+s31+$0x0] =	vst.idx.add.f32.msk $0xffff, v1  }
0x5a: {  	v1 =	vld [tilespmem:s9+$0x820];
	_ =	sdelay $0x6  }
0x5b: {  	v2 =	vld [tilespmem:s9+$0x1020]  }
0x5c: {  	v3 =	vld.idx.msk [tilespmem:v1+s15+$0x0], $0xffff  }
0x5d: {  	v58 =	vld [tilespmem:s9+$0x20];
	_ =	sdelay $0x3  }
0x5e: {  	v59 =	vshll.u32 v3, $0x10  }
0x5f: {  	v3 =	vand.u32 $0xFFFF0000, v3;
	v5 =	vmul.f32 v59, v58  }
0x60: {  	v3 =	vmul.f32 v3, v58  }
0x61: {  	[tilespmem:v2+s28+$0x0] =	vst.idx.add.f32.msk $0xffff, v5  }
0x62: {  	[tilespmem:v2+s29+$0x0] =	vst.idx.add.f32.msk $0xffff, v3  }
0x63: {  	v1 =	vld.idx.msk [tilespmem:v1+s17+$0x0], $0xffff;
	_ =	sdelay $0x4  }
0x64: {  	v3 =	vshll.u32 v1, $0x10  }
0x65: {  	v1 =	vand.u32 $0xFFFF0000, v1;
	v3 =	vmul.f32 v3, v58  }
0x66: {  	v1 =	vmul.f32 v1, v58  }
0x67: {  	[tilespmem:v2+s30+$0x0] =	vst.idx.add.f32.msk $0xffff, v3  }
0x68: {  	[tilespmem:v2+s31+$0x0] =	vst.idx.add.f32.msk $0xffff, v1  }
0x69: {  	v1 =	vld [tilespmem:s9+$0x830];
	_ =	sdelay $0x6  }
0x6a: {  	v2 =	vld [tilespmem:s9+$0x1030]  }
0x6b: {  	v3 =	vld.idx.msk [tilespmem:v1+s15+$0x0], $0xffff  }
0x6c: {  	v60 =	vld [tilespmem:s9+$0x30];
	_ =	sdelay $0x3  }
0x6d: {  	v61 =	vshll.u32 v3, $0x10  }
0x6e: {  	v3 =	vand.u32 $0xFFFF0000, v3;
	v5 =	vmul.f32 v61, v60  }
0x6f: {  	v3 =	vmul.f32 v3, v60  }
0x70: {  	[tilespmem:v2+s28+$0x0] =	vst.idx.add.f32.msk $0xffff, v5  }
0x71: {  	[tilespmem:v2+s29+$0x0] =	vst.idx.add.f32.msk $0xffff, v3  }
0x72: {  	v1 =	vld.idx.msk [tilespmem:v1+s17+$0x0], $0xffff;
	_ =	sdelay $0x4  }
0x73: {  	v3 =	vshll.u32 v1, $0x10  }
0x74: {  	v1 =	vand.u32 $0xFFFF0000, v1;
	v3 =	vmul.f32 v3, v60  }
0x75: {  	v1 =	vmul.f32 v1, v60  }
0x76: {  	[tilespmem:v2+s30+$0x0] =	vst.idx.add.f32.msk $0xffff, v3  }
0x77: {  	[tilespmem:v2+s31+$0x0] =	vst.idx.add.f32.msk $0xffff, v1  }
0x78: {  	v1 =	vld [tilespmem:s9+$0x840];
	_ =	sdelay $0x6  }
0x79: {  	v2 =	vld [tilespmem:s9+$0x1040]  }
0x7a: {  	v3 =	vld.idx.msk [tilespmem:v1+s15+$0x0], $0xffff  }
0x7b: {  	v62 =	vld [tilespmem:s9+$0x40];
	_ =	sdelay $0x3  }
0x7c: {  	v63 =	vshll.u32 v3, $0x10  }
0x7d: {  	v3 =	vand.u32 $0xFFFF0000, v3;
	v5 =	vmul.f32 v63, v62  }
0x7e: {  	v3 =	vmul.f32 v3, v62  }
0x7f: {  	[tilespmem:v2+s28+$0x0] =	vst.idx.add.f32.msk $0xffff, v5  }
0x80: {  	[tilespmem:v2+s29+$0x0] =	vst.idx.add.f32.msk $0xffff, v3  }
0x81: {  	v1 =	vld.idx.msk [tilespmem:v1+s17+$0x0], $0xffff;
	_ =	sdelay $0x3  }
0x82: {  	p0 =	sne.s32 s14, $0x1E00  }
.Ltmp1:
0x83: {  	v3 =	vshll.u32 v1, $0x10;
	(pc) =	sbr.rel @p0 .LBB2_5-.Ltmp1, $4  }
0x84: {  	v1 =	vand.u32 $0xFFFF0000, v1;
	v3 =	vmul.f32 v3, v62  }
0x85: {  	v1 =	vmul.f32 v1, v62  }
0x86: {  	[tilespmem:v2+s30+$0x0] =	vst.idx.add.f32.msk $0xffff, v3  }
0x87: {  	s14 =	sadd.s32 $0x140, s14;
	[tilespmem:v2+s31+$0x0] =	vst.idx.add.f32.msk $0xffff, v1  }
0x88: {  	p0 =	seq.s32 s7, $0x4F  }
0x89: {  	s8 =	sadd.s32 @!p0 $0x2, s8  }
0x8a: {  	_ =	swait.ge [sflag:s1], $0x800;
	s9 =	smulhi.u32 @!p0 $0x66666667, s8  }
0x8b: {  	[sflag:s1] =	ssyncset.done $0x0  }
0x8c: {  	[sflag:s1] =	ssyncadd.s32 $0xFFFFF800;
	s9 =	sshrl.u32 @!p0 s9, $0x1  }
0x8d: {  	_ =	swait.ge [sflag:s0], $0x7D0;
	s14 =	smul.u32 @!p0 $0x5, s9  }
0x8e: {  	s10 =	simm.s32 @!p0 $0x400;
	[sflag:s0] =	ssyncset.done $0x0  }
0x8f: {  	s11 =	simm.s32 @!p0 $0x0;
	[sflag:s0] =	ssyncadd.s32 $0xFFFFF830;
	s14 =	ssub.s32 @!p0 s8, s14  }
0x90: {  	s9 =	sshll.u32 @!p0 s9, $0xB;
	_ =	swait.ge [sflag:s19], $0x7D0;
	s14 =	sshll.u32 @!p0 s14, $0x4  }
0x91: {  	[sflag:s19] =	ssyncset.done $0x0;
	s8 =	smul.u32 @!p0 $0xFA, s8;
	s14 =	sadd.s32 @!p0 s3, s14  }
0x92: {  	[sflag:s19] =	ssyncadd.s32 $0xFFFFF830;
	s9 =	sadd.s32 @!p0 s9, s14;
	s14 =	simm.s32 @!p0 $0x80  }
0x93: {  	[tilespmem:s11], [sflag:$0x1] =	stream.strided.gather @!p0 [hbm4b:s9+s14], $0x800, s10, s14, $0x38;
	[tilespmem:$0x11D00] =	vst v63  }
0x94: {  	s9 =	sadd.s32 @!p0 s4, s8;
	s10 =	simm.s32 @!p0 $0x800  }
0x95: {  	[tilespmem:s10], [sflag:$0x2] =	stream.linear.gather @!p0 [hbm4b:s9+s11], $0x7D0, $0x38;
	[tilespmem:$0x11D00] =	vst v63  }
0x96: {  	s8 =	sadd.s32 @!p0 s5, s8;
	s9 =	simm.s32 @!p0 $0x1000  }
0x97: {  	[tilespmem:s9], [sflag:$0x3] =	stream.linear.gather @!p0 [hbm4b:s8+s11], $0x7D0, $0x38;
	[tilespmem:$0x11D00] =	vst v63  }
0x98: {  	s8 =	simm.s32 $0x0  }
.LBB2_7:
0x99: {  	s9 =	sshra.s32 s8, $0x2  }
0x9a: {  	v1 =	vld [tilespmem:s9+$0x2000];
	_ =	sdelay $0x6  }
0x9b: {  	v2 =	vld [tilespmem:s9+$0x2800]  }
0x9c: {  	v3 =	vld.idx.msk [tilespmem:v1+s15+$0x0], $0xffff  }
0x9d: {  	v4 =	vld [tilespmem:s9+$0x1800];
	_ =	sdelay $0x3  }
0x9e: {  	v5 =	vshll.u32 v3, $0x10  }
0x9f: {  	v3 =	vand.u32 $0xFFFF0000, v3;
	v5 =	vmul.f32 v5, v4  }
0xa0: {  	v3 =	vmul.f32 v3, v4  }
0xa1: {  	[tilespmem:v2+s28+$0x0] =	vst.idx.add.f32.msk $0xffff, v5  }
0xa2: {  	[tilespmem:v2+s29+$0x0] =	vst.idx.add.f32.msk $0xffff, v3  }
0xa3: {  	v1 =	vld.idx.msk [tilespmem:v1+s17+$0x0], $0xffff;
	_ =	sdelay $0x4  }
0xa4: {  	v3 =	vshll.u32 v1, $0x10  }
0xa5: {  	v1 =	vand.u32 $0xFFFF0000, v1;
	v3 =	vmul.f32 v3, v4  }
0xa6: {  	v1 =	vmul.f32 v1, v4  }
0xa7: {  	[tilespmem:v2+s30+$0x0] =	vst.idx.add.f32.msk $0xffff, v3  }
0xa8: {  	[tilespmem:v2+s31+$0x0] =	vst.idx.add.f32.msk $0xffff, v1  }
0xa9: {  	v1 =	vld [tilespmem:s9+$0x2010];
	_ =	sdelay $0x6  }
0xaa: {  	v2 =	vld [tilespmem:s9+$0x2810]  }
0xab: {  	v3 =	vld.idx.msk [tilespmem:v1+s15+$0x0], $0xffff  }
0xac: {  	v56 =	vld [tilespmem:s9+$0x1810];
	_ =	sdelay $0x3  }
0xad: {  	v57 =	vshll.u32 v3, $0x10  }
0xae: {  	v3 =	vand.u32 $0xFFFF0000, v3;
	v5 =	vmul.f32 v57, v56  }
0xaf: {  	v3 =	vmul.f32 v3, v56  }
0xb0: {  	[tilespmem:v2+s28+$0x0] =	vst.idx.add.f32.msk $0xffff, v5  }
0xb1: {  	[tilespmem:v2+s29+$0x0] =	vst.idx.add.f32.msk $0xffff, v3  }
0xb2: {  	v1 =	vld.idx.msk [tilespmem:v1+s17+$0x0], $0xffff;
	_ =	sdelay $0x4  }
0xb3: {  	v3 =	vshll.u32 v1, $0x10  }
0xb4: {  	v1 =	vand.u32 $0xFFFF0000, v1;
	v3 =	vmul.f32 v3, v56  }
0xb5: {  	v1 =	vmul.f32 v1, v56  }
0xb6: {  	[tilespmem:v2+s30+$0x0] =	vst.idx.add.f32.msk $0xffff, v3  }
0xb7: {  	[tilespmem:v2+s31+$0x0] =	vst.idx.add.f32.msk $0xffff, v1  }
0xb8: {  	v1 =	vld [tilespmem:s9+$0x2020];
	_ =	sdelay $0x6  }
0xb9: {  	v2 =	vld [tilespmem:s9+$0x2820]  }
0xba: {  	v3 =	vld.idx.msk [tilespmem:v1+s15+$0x0], $0xffff  }
0xbb: {  	v58 =	vld [tilespmem:s9+$0x1820];
	_ =	sdelay $0x3  }
0xbc: {  	v59 =	vshll.u32 v3, $0x10  }
0xbd: {  	v3 =	vand.u32 $0xFFFF0000, v3;
	v5 =	vmul.f32 v59, v58  }
0xbe: {  	v3 =	vmul.f32 v3, v58  }
0xbf: {  	[tilespmem:v2+s28+$0x0] =	vst.idx.add.f32.msk $0xffff, v5  }
0xc0: {  	[tilespmem:v2+s29+$0x0] =	vst.idx.add.f32.msk $0xffff, v3  }
0xc1: {  	v1 =	vld.idx.msk [tilespmem:v1+s17+$0x0], $0xffff;
	_ =	sdelay $0x4  }
0xc2: {  	v3 =	vshll.u32 v1, $0x10  }
0xc3: {  	v1 =	vand.u32 $0xFFFF0000, v1;
	v3 =	vmul.f32 v3, v58  }
0xc4: {  	v1 =	vmul.f32 v1, v58  }
0xc5: {  	[tilespmem:v2+s30+$0x0] =	vst.idx.add.f32.msk $0xffff, v3  }
0xc6: {  	[tilespmem:v2+s31+$0x0] =	vst.idx.add.f32.msk $0xffff, v1  }
0xc7: {  	v1 =	vld [tilespmem:s9+$0x2030];
	_ =	sdelay $0x6  }
0xc8: {  	v2 =	vld [tilespmem:s9+$0x2830]  }
0xc9: {  	v3 =	vld.idx.msk [tilespmem:v1+s15+$0x0], $0xffff  }
0xca: {  	v60 =	vld [tilespmem:s9+$0x1830];
	_ =	sdelay $0x3  }
0xcb: {  	v61 =	vshll.u32 v3, $0x10  }
0xcc: {  	v3 =	vand.u32 $0xFFFF0000, v3;
	v5 =	vmul.f32 v61, v60  }
0xcd: {  	v3 =	vmul.f32 v3, v60  }
0xce: {  	[tilespmem:v2+s28+$0x0] =	vst.idx.add.f32.msk $0xffff, v5  }
0xcf: {  	[tilespmem:v2+s29+$0x0] =	vst.idx.add.f32.msk $0xffff, v3  }
0xd0: {  	v1 =	vld.idx.msk [tilespmem:v1+s17+$0x0], $0xffff;
	_ =	sdelay $0x4  }
0xd1: {  	v3 =	vshll.u32 v1, $0x10  }
0xd2: {  	v1 =	vand.u32 $0xFFFF0000, v1;
	v3 =	vmul.f32 v3, v60  }
0xd3: {  	v1 =	vmul.f32 v1, v60  }
0xd4: {  	[tilespmem:v2+s30+$0x0] =	vst.idx.add.f32.msk $0xffff, v3  }
0xd5: {  	[tilespmem:v2+s31+$0x0] =	vst.idx.add.f32.msk $0xffff, v1  }
0xd6: {  	v1 =	vld [tilespmem:s9+$0x2040];
	_ =	sdelay $0x6  }
0xd7: {  	v2 =	vld [tilespmem:s9+$0x2840]  }
0xd8: {  	v3 =	vld.idx.msk [tilespmem:v1+s15+$0x0], $0xffff  }
0xd9: {  	v62 =	vld [tilespmem:s9+$0x1840];
	_ =	sdelay $0x3  }
0xda: {  	v63 =	vshll.u32 v3, $0x10  }
0xdb: {  	v3 =	vand.u32 $0xFFFF0000, v3;
	v5 =	vmul.f32 v63, v62  }
0xdc: {  	v3 =	vmul.f32 v3, v62  }
0xdd: {  	[tilespmem:v2+s28+$0x0] =	vst.idx.add.f32.msk $0xffff, v5  }
0xde: {  	[tilespmem:v2+s29+$0x0] =	vst.idx.add.f32.msk $0xffff, v3  }
0xdf: {  	v1 =	vld.idx.msk [tilespmem:v1+s17+$0x0], $0xffff;
	_ =	sdelay $0x3  }
0xe0: {  	p0 =	sne.s32 s8, $0x1E00  }
.Ltmp2:
0xe1: {  	v3 =	vshll.u32 v1, $0x10;
	(pc) =	sbr.rel @p0 .LBB2_7-.Ltmp2, $4  }
0xe2: {  	v1 =	vand.u32 $0xFFFF0000, v1;
	v3 =	vmul.f32 v3, v62  }
0xe3: {  	v1 =	vmul.f32 v1, v62  }
0xe4: {  	[tilespmem:v2+s30+$0x0] =	vst.idx.add.f32.msk $0xffff, v3  }
0xe5: {  	s8 =	sadd.s32 $0x140, s8;
	[tilespmem:v2+s31+$0x0] =	vst.idx.add.f32.msk $0xffff, v1  }
0xe6: {  	s7 =	sadd.s32 $0x1, s7  }
0xe7: {  	p0 =	sne.s32 s7, $0x50  }
.Ltmp3:
0xe8: {  	_ = 	snop;
	(pc) =	sbr.rel @p0 .LBB2_4-.Ltmp3, $1  }
0xe9: {  	_ =	sdelay $0x3  }
0xea: {  	s6 =	rddreg [dreg:$0x4]  }
0xeb: {  	[hbm4b:s6+s13] =	stream.strided.scatter [tilespmem:s28], [sflag:$0x7], $0x2780, s20, s13, $0x38;
	[tilespmem:$0x11D00] =	vst v63  }
0xec: {  	_ =	swait.ge [sflag:s16], $0x2780  }
0xed: {  	[sflag:s16] =	ssyncset.done $0x0  }
0xee: {  	s10 =	rddreg [dreg:$0x5];
	[sflag:s16] =	ssyncadd.s32 $0xFFFFD880  }
0xef: {  	[hbm4b:s10+s13] =	stream.strided.scatter [tilespmem:s29], [sflag:$0x7], $0x2780, s20, s13, $0x38;
	[tilespmem:$0x11D00] =	vst v63  }
0xf0: {  	_ =	swait.ge [sflag:s16], $0x2780  }
0xf1: {  	[sflag:s16] =	ssyncset.done $0x0  }
0xf2: {  	s11 =	rddreg [dreg:$0x6];
	[sflag:s16] =	ssyncadd.s32 $0xFFFFD880  }
0xf3: {  	[hbm4b:s11+s13] =	stream.strided.scatter [tilespmem:s30], [sflag:$0x7], $0x2780, s20, s13, $0x38;
	[tilespmem:$0x11D00] =	vst v63  }
0xf4: {  	s2 =	sadd.s32 $0x1, s2;
	_ =	swait.ge [sflag:s16], $0x2780  }
0xf5: {  	p0 =	sne.s32 s2, s12;
	[sflag:s16] =	ssyncset.done $0x0  }
.Ltmp4:
0xf6: {  	s14 =	rddreg [dreg:$0x7];
	[sflag:s16] =	ssyncadd.s32 $0xFFFFD880;
	(pc) =	sbr.rel @p0 .LBB2_1-.Ltmp4, $4  }
0xf7: {  	[hbm4b:s14+s13] =	stream.strided.scatter [tilespmem:s31], [sflag:$0x7], $0x2780, s20, s13, $0x38;
	[tilespmem:$0x11D00] =	vst v63  }
0xf8: {  	_ =	swait.ge [sflag:s16], $0x2780  }
0xf9: {  	[sflag:s16] =	ssyncset.done $0x0  }
0xfa: {  	[sflag:s16] =	ssyncadd.s32 $0xFFFFD880  }
0xfb: {  	_ =	sfence.sel $0x180000  }
0xfc: {  	[bflag:$0x0] =	sbarrier.arrive $0xFFFF  }
0xfd: {  	_ =	strace $0x9000004A  }
0xfe: {  	s0 =	stileid.u32;
	[bflag:$0x2] =	sbarrier.arrive $0xFFFF  }
0xff: {  	p0 =	sne.s32 s0, $0x0;
	s0 =	rddreg [dreg:$0x1]  }
0x100: {  	s0 =	sadd.s32 @!p0 $0x100000, s0  }
0x101: {  	[sflag:s0] =	ssyncadd.tile.s32 @!p0 $0x1;
	_ =	shalt  }
.Lfunc_end2:
_tile_overlayer_lowered:
.L_overlay_start_2:
0x102: {  	(tag) =	ssettag $0x2  }
0x103: {  	s0 =	rddreg [dreg:$0x0];
	s2 =	stileid.u32  }
0x104: {  	s1 =	rddreg [dreg:$0x1];
	p0 =	sne.s32 s2, $0x0  }
0x105: {  	s3 =	rddreg [dreg:$0x2];
	[bflag:$0x3] =	sbarrier.arrive $0xFFFF;
	s2 =	simm.s32 @!p0 $0x1C07  }
0x106: {  	[timem:s3], [sflag:s2] =	dma.local @!p0 [hbm:s0], s1  }
0x107: {  	s0 =	simm.s32 @!p0 $0x7  }
0x108: {  	_ =	swait.ge @!p0 [sflag:s0], s1  }
0x109: {  	s1 =	ssub.s32 @!p0 $0x0, s1;
	[sflag:s0] =	ssyncset.done @!p0 $0x0  }
0x10a: {  	[sflag:s0] =	ssyncadd.s32 @!p0 s1  }
0x10b: {  	[bflag:$0x3] =	sbarrier.arrive $0xFFFF  }
0x10c: {  	_ =	shalt  }

</sc_bundles>
